<compile_context>
chip_gen: v7x
topology: tpu7x:2x2x1
jax: 0.10.2.dev20260603
libtpu: 0.0.44.dev20260713+nightly
codegen_flags: <defaults>
</compile_context>

<pallas_src>
import functools

import jax
import jax.numpy as jnp
from jax import lax
from jax.experimental import pallas as pl
from jax.experimental.pallas import tpu as pltpu
from jax.experimental.pallas import tpu_sc as plsc

DIM = 128
NC = 2
NS = 16
NW = NC * NS
N = 100000
NROWS = 100
SPAN = 3128
LAST_BASE = N - SPAN
CHUNK = 256
SIZES = [32, 64, 128] + [256] * 10 + [192, 152]
OFFS = [sum(SIZES[:i]) for i in range(len(SIZES))]
NCH = len(SIZES)
NBUF = 3


def _emb_kernel(table_hbm, idx_hbm, out_hbm, *scratch):
    table_sh, idx_v = scratch[0], scratch[1]
    bufs = scratch[2:2 + NBUF]
    gsems = scratch[2 + NBUF:2 + 2 * NBUF]
    wsems = scratch[2 + 2 * NBUF:]
    sid = lax.axis_index("s")
    wid = sid * NC + lax.axis_index("c")
    base = lax.min(wid * SPAN, LAST_BASE)

    idx_copy = pltpu.async_copy(idx_hbm.at[pl.ds(base, SPAN)], idx_v, wsems[0])

    @pl.when(sid == 0)
    def _stage():
        pltpu.sync_copy(table_hbm, table_sh)
        zeros = jnp.zeros((16,), jnp.float32)
        for j in range(DIM // 16):
            bufs[0][0, pl.ds(j * 16, 16)] = zeros
        pltpu.sync_copy(bufs[0].at[pl.ds(0, 1)], table_sh.at[pl.ds(0, 1)])

    plsc.subcore_barrier()
    idx_copy.wait()

    def start_gather(g):
        sz = SIZES[g]
        b = bufs[g % NBUF]
        dst = b.at[pl.ds(0, sz)] if sz != CHUNK else b
        return pltpu.async_copy(
            table_sh.at[idx_v.at[pl.ds(OFFS[g], sz)]], dst, gsems[g % NBUF])

    def start_write(g):
        sz = SIZES[g]
        b = bufs[g % NBUF]
        src = b.at[pl.ds(0, sz)] if sz != CHUNK else b
        return pltpu.async_copy(
            src, out_hbm.at[pl.ds(base + OFFS[g], sz), :], wsems[g % NBUF])

    gathers = [None] * NCH
    writes = [None] * NCH
    gathers[0] = start_gather(0)
    for g in range(NCH):
        nxt = g + 1
        if nxt < NCH:
            if nxt >= NBUF:
                writes[nxt - NBUF].wait()
            gathers[nxt] = start_gather(nxt)
        gathers[g].wait()
        writes[g] = start_write(g)
    for g in range(max(0, NCH - NBUF), NCH):
        writes[g].wait()


@jax.jit
def _gather(table, idx):
    mesh = plsc.VectorSubcoreMesh(core_axis_name="c", subcore_axis_name="s")
    f = functools.partial(
        pl.kernel,
        mesh=mesh,
        out_type=jax.ShapeDtypeStruct((N, DIM), jnp.float32),
        scratch_types=(
            [pltpu.VMEM_SHARED((NROWS, DIM), jnp.float32),
             pltpu.VMEM((SPAN,), jnp.int32)]
            + [pltpu.VMEM((CHUNK, DIM), jnp.float32)] * NBUF
            + [pltpu.SemaphoreType.DMA] * (2 * NBUF)
        ),
    )(_emb_kernel)
    return f(table, idx)


def kernel(node_type, table):
    return _gather(table, node_type)

# --- scband reference (transcript-rebuilt; emitter-appended) ---
"""Pipeline reference for scband-atom-embedding-44590350467099 (READ-ONLY COPY).

The authoritative reference and input builder live on the scoring server;
editing this copy changes nothing except your own understanding.
"""

import jax, jax.numpy as jnp
import numpy as np

DIM = 128
TYPE_NUM = 100
N_NODES = 100000


def setup_inputs(seed: int = 0) -> dict:
    key = jax.random.key(seed)
    k1, k2 = jax.random.split(key)
    # node_type indices: atomic numbers in [0, TYPE_NUM)
    node_type = jax.random.randint(k1, (N_NODES,), 0, TYPE_NUM, dtype=jnp.int32)
    # learned embedding table (nn.Embedding(type_num, dim, padding_idx=0))
    table = jax.random.normal(k2, (TYPE_NUM, DIM), dtype=jnp.float32)
    return {"node_type": node_type, "table": table}


def reference(node_type, table):
    # padding_idx=0 semantics: row 0 of the table is held at zero
    t = table.at[0].set(0.0)
    # embedding lookup: g.ndata['node_type'] -> embeddings
    nnode_feats = jnp.take(t, node_type, axis=0)
    return nnode_feats

if __name__ == "__main__":
    import jax
    _d = setup_inputs()
    print(jax.jit(kernel)(*tuple(_d.values())))

</pallas_src>

<mosaic_0001>
#map = affine_map<(d0, d1) -> (0, 0)>
#map1 = affine_map<(d0, d1) -> (0)>
module attributes {stable_mosaic.version = 14 : i64} {
  func.func @_emb_kernel(%arg0: i32, %arg1: i32, %arg2: memref<100x128xf32, #tpu.memory_space<hbm>>, %arg3: memref<100000xi32, #tpu.memory_space<hbm>>, %arg4: memref<100000x128xf32, #tpu.memory_space<hbm>>, %arg5: memref<100x128xf32, #tpu.memory_space<vmem_shared>>, %arg6: memref<3128xi32, #tpu.memory_space<vmem>>, %arg7: memref<256x128xf32, #tpu.memory_space<vmem>>, %arg8: memref<256x128xf32, #tpu.memory_space<vmem>>, %arg9: memref<256x128xf32, #tpu.memory_space<vmem>>, %arg10: memref<!tpu.dma_semaphore, #tpu.memory_space<semaphore_mem>>, %arg11: memref<!tpu.dma_semaphore, #tpu.memory_space<semaphore_mem>>, %arg12: memref<!tpu.dma_semaphore, #tpu.memory_space<semaphore_mem>>, %arg13: memref<!tpu.dma_semaphore, #tpu.memory_space<semaphore_mem>>, %arg14: memref<!tpu.dma_semaphore, #tpu.memory_space<semaphore_mem>>, %arg15: memref<!tpu.dma_semaphore, #tpu.memory_space<semaphore_mem>>) attributes {dimension_semantics = [#tpu.dimension_semantics<core_parallel>, #tpu.dimension_semantics<subcore_parallel>], iteration_bounds = array<i64: 2, 16>, scalar_prefetch = 0 : i64, scratch_operands = 11 : i64, tpu.core_type = #tpu.core_type<sc_vector_subcore>, window_params = [{transform_indices = #map}, {transform_indices = #map1}, {transform_indices = #map}]} {
    %mul3A = arith.constant 2 : i32
    %mul3A_0 = arith.muli %arg1, %mul3A : i32
    %add3A = arith.addi %mul3A_0, %arg0 : i32
    %mul3A_1 = arith.constant 3128 : i32
    %mul3A_2 = arith.muli %add3A, %mul3A_1 : i32
    %min3A = arith.constant 96872 : i32
    %min3A_3 = arith.minsi %mul3A_2, %min3A : i32
    %dma_start3A = tpu.memref_slice %arg3[%min3A_3] : memref<100000xi32, #tpu.memory_space<hbm>> -> memref<3128xi32, #tpu.memory_space<hbm>>
    %dma_start3A_4 = tpu.memref_slice %arg3[%min3A_3] : memref<100000xi32, #tpu.memory_space<hbm>> -> memref<3128xi32, #tpu.memory_space<hbm>>
    tpu.enqueue_dma source(%dma_start3A_4 : memref<3128xi32, #tpu.memory_space<hbm>>) target(%arg6 : memref<3128xi32, #tpu.memory_space<vmem>>) target_semaphore(%arg13 : memref<!tpu.dma_semaphore, #tpu.memory_space<semaphore_mem>>)
    %eq3A = arith.constant 0 : i32
    %eq3A_5 = arith.cmpi eq, %arg1, %eq3A : i32
    %convert_element_type3A = arith.extui %eq3A_5 : i1 to i32
    %cond3A = arith.constant 0 : i32
    %cond3A_6 = arith.cmpi ne, %convert_element_type3A, %cond3A : i32
    scf.if %cond3A_6 {
      "tpu.region"() ({
        %run_scoped3A = tpu.sem_alloc : memref<!tpu.dma_semaphore, #tpu.memory_space<semaphore_mem>>
        tpu.enqueue_dma source(%arg2 : memref<100x128xf32, #tpu.memory_space<hbm>>) target(%arg5 : memref<100x128xf32, #tpu.memory_space<vmem_shared>>) target_semaphore(%run_scoped3A : memref<!tpu.dma_semaphore, #tpu.memory_space<semaphore_mem>>)
        tpu.wait_dma2 semaphore(%run_scoped3A : memref<!tpu.dma_semaphore, #tpu.memory_space<semaphore_mem>>) src(%arg2 : memref<100x128xf32, #tpu.memory_space<hbm>>) dst(%arg5 : memref<100x128xf32, #tpu.memory_space<vmem_shared>>)
        tpu.yield
      }) : () -> ()
      %broadcast_in_dim3A = arith.constant 0.000000e+00 : f32
      %broadcast_in_dim3A_398 = vector.broadcast %broadcast_in_dim3A : f32 to vector<16xf32>
      %swap3A = arith.constant 0 : i32
      %swap3A_399 = arith.index_cast %swap3A : i32 to index
      %swap3A_400 = arith.constant 0 : index
      %swap3A_401 = tpu.vector_load %arg7[%swap3A_399, %swap3A_400] {strides = array<i32>} : memref<256x128xf32, #tpu.memory_space<vmem>>, vector<1x16xf32>,
      %swap3A_402 = vector.shape_cast %swap3A_401 : vector<1x16xf32> to vector<16xf32>
      %swap3A_403 = vector.shape_cast %broadcast_in_dim3A_398 : vector<16xf32> to vector<1x16xf32>
      tpu.vector_store %arg7[%swap3A_399, %swap3A_400], %swap3A_403 {strides = array<i32>} : memref<256x128xf32, #tpu.memory_space<vmem>>, vector<1x16xf32>,
      %swap3A_404 = arith.constant 0 : i32
      %swap3A_405 = arith.index_cast %swap3A_404 : i32 to index
      %swap3A_406 = arith.constant 16 : index
      %swap3A_407 = tpu.vector_load %arg7[%swap3A_405, %swap3A_406] {strides = array<i32>} : memref<256x128xf32, #tpu.memory_space<vmem>>, vector<1x16xf32>,
      %swap3A_408 = vector.shape_cast %swap3A_407 : vector<1x16xf32> to vector<16xf32>
      %swap3A_409 = vector.shape_cast %broadcast_in_dim3A_398 : vector<16xf32> to vector<1x16xf32>
      tpu.vector_store %arg7[%swap3A_405, %swap3A_406], %swap3A_409 {strides = array<i32>} : memref<256x128xf32, #tpu.memory_space<vmem>>, vector<1x16xf32>,
      %swap3A_410 = arith.constant 0 : i32
      %swap3A_411 = arith.index_cast %swap3A_410 : i32 to index
      %swap3A_412 = arith.constant 32 : index
      %swap3A_413 = tpu.vector_load %arg7[%swap3A_411, %swap3A_412] {strides = array<i32>} : memref<256x128xf32, #tpu.memory_space<vmem>>, vector<1x16xf32>,
      %swap3A_414 = vector.shape_cast %swap3A_413 : vector<1x16xf32> to vector<16xf32>
      %swap3A_415 = vector.shape_cast %broadcast_in_dim3A_398 : vector<16xf32> to vector<1x16xf32>
      tpu.vector_store %arg7[%swap3A_411, %swap3A_412], %swap3A_415 {strides = array<i32>} : memref<256x128xf32, #tpu.memory_space<vmem>>, vector<1x16xf32>,
      %swap3A_416 = arith.constant 0 : i32
      %swap3A_417 = arith.index_cast %swap3A_416 : i32 to index
      %swap3A_418 = arith.constant 48 : index
      %swap3A_419 = tpu.vector_load %arg7[%swap3A_417, %swap3A_418] {strides = array<i32>} : memref<256x128xf32, #tpu.memory_space<vmem>>, vector<1x16xf32>,
      %swap3A_420 = vector.shape_cast %swap3A_419 : vector<1x16xf32> to vector<16xf32>
      %swap3A_421 = vector.shape_cast %broadcast_in_dim3A_398 : vector<16xf32> to vector<1x16xf32>
      tpu.vector_store %arg7[%swap3A_417, %swap3A_418], %swap3A_421 {strides = array<i32>} : memref<256x128xf32, #tpu.memory_space<vmem>>, vector<1x16xf32>,
      %swap3A_422 = arith.constant 0 : i32
      %swap3A_423 = arith.index_cast %swap3A_422 : i32 to index
      %swap3A_424 = arith.constant 64 : index
      %swap3A_425 = tpu.vector_load %arg7[%swap3A_423, %swap3A_424] {strides = array<i32>} : memref<256x128xf32, #tpu.memory_space<vmem>>, vector<1x16xf32>,
      %swap3A_426 = vector.shape_cast %swap3A_425 : vector<1x16xf32> to vector<16xf32>
      %swap3A_427 = vector.shape_cast %broadcast_in_dim3A_398 : vector<16xf32> to vector<1x16xf32>
      tpu.vector_store %arg7[%swap3A_423, %swap3A_424], %swap3A_427 {strides = array<i32>} : memref<256x128xf32, #tpu.memory_space<vmem>>, vector<1x16xf32>,
      %swap3A_428 = arith.constant 0 : i32
      %swap3A_429 = arith.index_cast %swap3A_428 : i32 to index
      %swap3A_430 = arith.constant 80 : index
      %swap3A_431 = tpu.vector_load %arg7[%swap3A_429, %swap3A_430] {strides = array<i32>} : memref<256x128xf32, #tpu.memory_space<vmem>>, vector<1x16xf32>,
      %swap3A_432 = vector.shape_cast %swap3A_431 : vector<1x16xf32> to vector<16xf32>
      %swap3A_433 = vector.shape_cast %broadcast_in_dim3A_398 : vector<16xf32> to vector<1x16xf32>
      tpu.vector_store %arg7[%swap3A_429, %swap3A_430], %swap3A_433 {strides = array<i32>} : memref<256x128xf32, #tpu.memory_space<vmem>>, vector<1x16xf32>,
      %swap3A_434 = arith.constant 0 : i32
      %swap3A_435 = arith.index_cast %swap3A_434 : i32 to index
      %swap3A_436 = arith.constant 96 : index
      %swap3A_437 = tpu.vector_load %arg7[%swap3A_435, %swap3A_436] {strides = array<i32>} : memref<256x128xf32, #tpu.memory_space<vmem>>, vector<1x16xf32>,
      %swap3A_438 = vector.shape_cast %swap3A_437 : vector<1x16xf32> to vector<16xf32>
      %swap3A_439 = vector.shape_cast %broadcast_in_dim3A_398 : vector<16xf32> to vector<1x16xf32>
      tpu.vector_store %arg7[%swap3A_435, %swap3A_436], %swap3A_439 {strides = array<i32>} : memref<256x128xf32, #tpu.memory_space<vmem>>, vector<1x16xf32>,
      %swap3A_440 = arith.constant 0 : i32
      %swap3A_441 = arith.index_cast %swap3A_440 : i32 to index
      %swap3A_442 = arith.constant 112 : index
      %swap3A_443 = tpu.vector_load %arg7[%swap3A_441, %swap3A_442] {strides = array<i32>} : memref<256x128xf32, #tpu.memory_space<vmem>>, vector<1x16xf32>,
      %swap3A_444 = vector.shape_cast %swap3A_443 : vector<1x16xf32> to vector<16xf32>
      %swap3A_445 = vector.shape_cast %broadcast_in_dim3A_398 : vector<16xf32> to vector<1x16xf32>
      tpu.vector_store %arg7[%swap3A_441, %swap3A_442], %swap3A_445 {strides = array<i32>} : memref<256x128xf32, #tpu.memory_space<vmem>>, vector<1x16xf32>,
      "tpu.region"() ({
        %run_scoped3A = tpu.sem_alloc : memref<!tpu.dma_semaphore, #tpu.memory_space<semaphore_mem>>
        %dma_start3A_446 = arith.constant 0 : i32
        %dma_start3A_447 = arith.constant 0 : i32
        %dma_start3A_448 = tpu.memref_slice %arg7[%dma_start3A_446, %dma_start3A_447] : memref<256x128xf32, #tpu.memory_space<vmem>> -> memref<1x128xf32, #tpu.memory_space<vmem>>
        %dma_start3A_449 = arith.constant 0 : i32
        %dma_start3A_450 = arith.constant 0 : i32
        %dma_start3A_451 = tpu.memref_slice %arg5[%dma_start3A_449, %dma_start3A_450] : memref<100x128xf32, #tpu.memory_space<vmem_shared>> -> memref<1x128xf32, #tpu.memory_space<vmem_shared>>
        %dma_start3A_452 = arith.constant 0 : i32
        %dma_start3A_453 = arith.constant 0 : i32
        %dma_start3A_454 = tpu.memref_slice %arg5[%dma_start3A_452, %dma_start3A_453] : memref<100x128xf32, #tpu.memory_space<vmem_shared>> -> memref<1x128xf32, #tpu.memory_space<vmem_shared>>
        %dma_start3A_455 = arith.constant 0 : i32
        %dma_start3A_456 = arith.constant 0 : i32
        %dma_start3A_457 = tpu.memref_slice %arg7[%dma_start3A_455, %dma_start3A_456] : memref<256x128xf32, #tpu.memory_space<vmem>> -> memref<1x128xf32, #tpu.memory_space<vmem>>
        tpu.enqueue_dma source(%dma_start3A_457 : memref<1x128xf32, #tpu.memory_space<vmem>>) target(%dma_start3A_454 : memref<1x128xf32, #tpu.memory_space<vmem_shared>>) target_semaphore(%run_scoped3A : memref<!tpu.dma_semaphore, #tpu.memory_space<semaphore_mem>>)
        %dma_wait3A_458 = arith.constant 0 : i32
        %dma_wait3A_459 = arith.constant 0 : i32
        %dma_wait3A_460 = tpu.memref_slice %arg7[%dma_wait3A_458, %dma_wait3A_459] : memref<256x128xf32, #tpu.memory_space<vmem>> -> memref<1x128xf32, #tpu.memory_space<vmem>>
        %dma_wait3A_461 = arith.constant 0 : i32
        %dma_wait3A_462 = arith.constant 0 : i32
        %dma_wait3A_463 = tpu.memref_slice %arg5[%dma_wait3A_461, %dma_wait3A_462] : memref<100x128xf32, #tpu.memory_space<vmem_shared>> -> memref<1x128xf32, #tpu.memory_space<vmem_shared>>
        %dma_wait3A_464 = arith.constant 0 : i32
        %dma_wait3A_465 = arith.constant 0 : i32
        %dma_wait3A_466 = tpu.memref_slice %arg5[%dma_wait3A_464, %dma_wait3A_465] : memref<100x128xf32, #tpu.memory_space<vmem_shared>> -> memref<1x128xf32, #tpu.memory_space<vmem_shared>>
        %dma_wait3A_467 = arith.constant 0 : i32
        %dma_wait3A_468 = arith.constant 0 : i32
        %dma_wait3A_469 = tpu.memref_slice %arg7[%dma_wait3A_467, %dma_wait3A_468] : memref<256x128xf32, #tpu.memory_space<vmem>> -> memref<1x128xf32, #tpu.memory_space<vmem>>
        tpu.wait_dma2 semaphore(%run_scoped3A : memref<!tpu.dma_semaphore, #tpu.memory_space<semaphore_mem>>) src(%dma_wait3A_469 : memref<1x128xf32, #tpu.memory_space<vmem>>) dst(%dma_wait3A_466 : memref<1x128xf32, #tpu.memory_space<vmem_shared>>)
        tpu.yield
      }) : () -> ()
    } else {
    }
    %barrier3A = arith.constant 0 : index
    tpu.barrier barrier_id(%barrier3A)
    %dma_wait3A = tpu.memref_slice %arg3[%min3A_3] : memref<100000xi32, #tpu.memory_space<hbm>> -> memref<3128xi32, #tpu.memory_space<hbm>>
    %dma_wait3A_7 = tpu.memref_slice %arg3[%min3A_3] : memref<100000xi32, #tpu.memory_space<hbm>> -> memref<3128xi32, #tpu.memory_space<hbm>>
    tpu.wait_dma2 semaphore(%arg13 : memref<!tpu.dma_semaphore, #tpu.memory_space<semaphore_mem>>) src(%dma_wait3A_7 : memref<3128xi32, #tpu.memory_space<hbm>>) dst(%arg6 : memref<3128xi32, #tpu.memory_space<vmem>>)
    %dma_start3A_8 = arith.constant 0 : i32
    %dma_start3A_9 = arith.constant 0 : i32
    %dma_start3A_10 = tpu.memref_slice %arg7[%dma_start3A_8, %dma_start3A_9] : memref<256x128xf32, #tpu.memory_space<vmem>> -> memref<32x128xf32, #tpu.memory_space<vmem>>
    %dma_start3A_11 = arith.constant 0 : i32
    %dma_start3A_12 = tpu.memref_slice %arg6[%dma_start3A_11] : memref<3128xi32, #tpu.memory_space<vmem>> -> memref<32xi32, #tpu.memory_space<vmem>>
    %dma_start3A_13 = arith.constant 0 : i32
    %dma_start3A_14 = arith.constant 0 : i32
    %dma_start3A_15 = tpu.memref_slice %arg5[%dma_start3A_13, %dma_start3A_14] : memref<100x128xf32, #tpu.memory_space<vmem_shared>> -> memref<100x128xf32, #tpu.memory_space<vmem_shared>>
    tpu.enqueue_indirect_dma source(%dma_start3A_15 : memref<100x128xf32, #tpu.memory_space<vmem_shared>>) target(%dma_start3A_10 : memref<32x128xf32, #tpu.memory_space<vmem>>) offsets(%dma_start3A_12 : memref<32xi32, #tpu.memory_space<vmem>>) semaphore(%arg10 : memref<!tpu.dma_semaphore, #tpu.memory_space<semaphore_mem>>)
    %dma_start3A_16 = arith.constant 0 : i32
    %dma_start3A_17 = arith.constant 0 : i32
    %dma_start3A_18 = tpu.memref_slice %arg8[%dma_start3A_16, %dma_start3A_17] : memref<256x128xf32, #tpu.memory_space<vmem>> -> memref<64x128xf32, #tpu.memory_space<vmem>>
    %dma_start3A_19 = arith.constant 32 : i32
    %dma_start3A_20 = tpu.memref_slice %arg6[%dma_start3A_19] : memref<3128xi32, #tpu.memory_space<vmem>> -> memref<64xi32, #tpu.memory_space<vmem>>
    %dma_start3A_21 = arith.constant 0 : i32
    %dma_start3A_22 = arith.constant 0 : i32
    %dma_start3A_23 = tpu.memref_slice %arg5[%dma_start3A_21, %dma_start3A_22] : memref<100x128xf32, #tpu.memory_space<vmem_shared>> -> memref<100x128xf32, #tpu.memory_space<vmem_shared>>
    tpu.enqueue_indirect_dma source(%dma_start3A_23 : memref<100x128xf32, #tpu.memory_space<vmem_shared>>) target(%dma_start3A_18 : memref<64x128xf32, #tpu.memory_space<vmem>>) offsets(%dma_start3A_20 : memref<64xi32, #tpu.memory_space<vmem>>) semaphore(%arg11 : memref<!tpu.dma_semaphore, #tpu.memory_space<semaphore_mem>>)
    %dma_wait3A_24 = arith.constant 0 : i32
    %dma_wait3A_25 = arith.constant 0 : i32
    %dma_wait3A_26 = tpu.memref_slice %arg7[%dma_wait3A_24, %dma_wait3A_25] : memref<256x128xf32, #tpu.memory_space<vmem>> -> memref<32x128xf32, #tpu.memory_space<vmem>>
    %dma_wait3A_27 = arith.constant 0 : i32
    %dma_wait3A_28 = tpu.memref_slice %arg6[%dma_wait3A_27] : memref<3128xi32, #tpu.memory_space<vmem>> -> memref<32xi32, #tpu.memory_space<vmem>>
    %dma_wait3A_29 = arith.constant 0 : i32
    %dma_wait3A_30 = arith.constant 0 : i32
    %dma_wait3A_31 = tpu.memref_slice %arg5[%dma_wait3A_29, %dma_wait3A_30] : memref<100x128xf32, #tpu.memory_space<vmem_shared>> -> memref<100x128xf32, #tpu.memory_space<vmem_shared>>
    tpu.wait_indirect_dma semaphore(%arg10 : memref<!tpu.dma_semaphore, #tpu.memory_space<semaphore_mem>>) src(%dma_wait3A_31 : memref<100x128xf32, #tpu.memory_space<vmem_shared>>) dst(%dma_wait3A_26 : memref<32x128xf32, #tpu.memory_space<vmem>>)
    %add3A_32 = arith.constant 0 : i32
    %add3A_33 = arith.addi %min3A_3, %add3A_32 : i32
    %dma_start3A_34 = arith.constant 0 : i32
    %dma_start3A_35 = arith.constant 0 : i32
    %dma_start3A_36 = tpu.memref_slice %arg7[%dma_start3A_34, %dma_start3A_35] : memref<256x128xf32, #tpu.memory_space<vmem>> -> memref<32x128xf32, #tpu.memory_space<vmem>>
    %dma_start3A_37 = arith.constant 0 : i32
    %dma_start3A_38 = tpu.memref_slice %arg4[%add3A_33, %dma_start3A_37] : memref<100000x128xf32, #tpu.memory_space<hbm>> -> memref<32x128xf32, #tpu.memory_space<hbm>>
    %dma_start3A_39 = arith.constant 0 : i32
    %dma_start3A_40 = tpu.memref_slice %arg4[%add3A_33, %dma_start3A_39] : memref<100000x128xf32, #tpu.memory_space<hbm>> -> memref<32x128xf32, #tpu.memory_space<hbm>>
    %dma_start3A_41 = arith.constant 0 : i32
    %dma_start3A_42 = arith.constant 0 : i32
    %dma_start3A_43 = tpu.memref_slice %arg7[%dma_start3A_41, %dma_start3A_42] : memref<256x128xf32, #tpu.memory_space<vmem>> -> memref<32x128xf32, #tpu.memory_space<vmem>>
    tpu.enqueue_dma source(%dma_start3A_43 : memref<32x128xf32, #tpu.memory_space<vmem>>) target(%dma_start3A_40 : memref<32x128xf32, #tpu.memory_space<hbm>>) target_semaphore(%arg13 : memref<!tpu.dma_semaphore, #tpu.memory_space<semaphore_mem>>)
    %dma_start3A_44 = arith.constant 0 : i32
    %dma_start3A_45 = arith.constant 0 : i32
    %dma_start3A_46 = tpu.memref_slice %arg9[%dma_start3A_44, %dma_start3A_45] : memref<256x128xf32, #tpu.memory_space<vmem>> -> memref<128x128xf32, #tpu.memory_space<vmem>>
    %dma_start3A_47 = arith.constant 96 : i32
    %dma_start3A_48 = tpu.memref_slice %arg6[%dma_start3A_47] : memref<3128xi32, #tpu.memory_space<vmem>> -> memref<128xi32, #tpu.memory_space<vmem>>
    %dma_start3A_49 = arith.constant 0 : i32
    %dma_start3A_50 = arith.constant 0 : i32
    %dma_start3A_51 = tpu.memref_slice %arg5[%dma_start3A_49, %dma_start3A_50] : memref<100x128xf32, #tpu.memory_space<vmem_shared>> -> memref<100x128xf32, #tpu.memory_space<vmem_shared>>
    tpu.enqueue_indirect_dma source(%dma_start3A_51 : memref<100x128xf32, #tpu.memory_space<vmem_shared>>) target(%dma_start3A_46 : memref<128x128xf32, #tpu.memory_space<vmem>>) offsets(%dma_start3A_48 : memref<128xi32, #tpu.memory_space<vmem>>) semaphore(%arg12 : memref<!tpu.dma_semaphore, #tpu.memory_space<semaphore_mem>>)
    %dma_wait3A_52 = arith.constant 0 : i32
    %dma_wait3A_53 = arith.constant 0 : i32
    %dma_wait3A_54 = tpu.memref_slice %arg8[%dma_wait3A_52, %dma_wait3A_53] : memref<256x128xf32, #tpu.memory_space<vmem>> -> memref<64x128xf32, #tpu.memory_space<vmem>>
    %dma_wait3A_55 = arith.constant 32 : i32
    %dma_wait3A_56 = tpu.memref_slice %arg6[%dma_wait3A_55] : memref<3128xi32, #tpu.memory_space<vmem>> -> memref<64xi32, #tpu.memory_space<vmem>>
    %dma_wait3A_57 = arith.constant 0 : i32
    %dma_wait3A_58 = arith.constant 0 : i32
    %dma_wait3A_59 = tpu.memref_slice %arg5[%dma_wait3A_57, %dma_wait3A_58] : memref<100x128xf32, #tpu.memory_space<vmem_shared>> -> memref<100x128xf32, #tpu.memory_space<vmem_shared>>
    tpu.wait_indirect_dma semaphore(%arg11 : memref<!tpu.dma_semaphore, #tpu.memory_space<semaphore_mem>>) src(%dma_wait3A_59 : memref<100x128xf32, #tpu.memory_space<vmem_shared>>) dst(%dma_wait3A_54 : memref<64x128xf32, #tpu.memory_space<vmem>>)
    %add3A_60 = arith.constant 32 : i32
    %add3A_61 = arith.addi %min3A_3, %add3A_60 : i32
    %dma_start3A_62 = arith.constant 0 : i32
    %dma_start3A_63 = arith.constant 0 : i32
    %dma_start3A_64 = tpu.memref_slice %arg8[%dma_start3A_62, %dma_start3A_63] : memref<256x128xf32, #tpu.memory_space<vmem>> -> memref<64x128xf32, #tpu.memory_space<vmem>>
    %dma_start3A_65 = arith.constant 0 : i32
    %dma_start3A_66 = tpu.memref_slice %arg4[%add3A_61, %dma_start3A_65] : memref<100000x128xf32, #tpu.memory_space<hbm>> -> memref<64x128xf32, #tpu.memory_space<hbm>>
    %dma_start3A_67 = arith.constant 0 : i32
    %dma_start3A_68 = tpu.memref_slice %arg4[%add3A_61, %dma_start3A_67] : memref<100000x128xf32, #tpu.memory_space<hbm>> -> memref<64x128xf32, #tpu.memory_space<hbm>>
    %dma_start3A_69 = arith.constant 0 : i32
    %dma_start3A_70 = arith.constant 0 : i32
    %dma_start3A_71 = tpu.memref_slice %arg8[%dma_start3A_69, %dma_start3A_70] : memref<256x128xf32, #tpu.memory_space<vmem>> -> memref<64x128xf32, #tpu.memory_space<vmem>>
    tpu.enqueue_dma source(%dma_start3A_71 : memref<64x128xf32, #tpu.memory_space<vmem>>) target(%dma_start3A_68 : memref<64x128xf32, #tpu.memory_space<hbm>>) target_semaphore(%arg14 : memref<!tpu.dma_semaphore, #tpu.memory_space<semaphore_mem>>)
    %dma_wait3A_72 = arith.constant 0 : i32
    %dma_wait3A_73 = arith.constant 0 : i32
    %dma_wait3A_74 = tpu.memref_slice %arg7[%dma_wait3A_72, %dma_wait3A_73] : memref<256x128xf32, #tpu.memory_space<vmem>> -> memref<32x128xf32, #tpu.memory_space<vmem>>
    %dma_wait3A_75 = arith.constant 0 : i32
    %dma_wait3A_76 = tpu.memref_slice %arg4[%add3A_33, %dma_wait3A_75] : memref<100000x128xf32, #tpu.memory_space<hbm>> -> memref<32x128xf32, #tpu.memory_space<hbm>>
    %dma_wait3A_77 = arith.constant 0 : i32
    %dma_wait3A_78 = tpu.memref_slice %arg4[%add3A_33, %dma_wait3A_77] : memref<100000x128xf32, #tpu.memory_space<hbm>> -> memref<32x128xf32, #tpu.memory_space<hbm>>
    %dma_wait3A_79 = arith.constant 0 : i32
    %dma_wait3A_80 = arith.constant 0 : i32
    %dma_wait3A_81 = tpu.memref_slice %arg7[%dma_wait3A_79, %dma_wait3A_80] : memref<256x128xf32, #tpu.memory_space<vmem>> -> memref<32x128xf32, #tpu.memory_space<vmem>>
    tpu.wait_dma2 semaphore(%arg13 : memref<!tpu.dma_semaphore, #tpu.memory_space<semaphore_mem>>) src(%dma_wait3A_81 : memref<32x128xf32, #tpu.memory_space<vmem>>) dst(%dma_wait3A_78 : memref<32x128xf32, #tpu.memory_space<hbm>>)
    %dma_start3A_82 = arith.constant 224 : i32
    %dma_start3A_83 = tpu.memref_slice %arg6[%dma_start3A_82] : memref<3128xi32, #tpu.memory_space<vmem>> -> memref<256xi32, #tpu.memory_space<vmem>>
    %dma_start3A_84 = arith.constant 0 : i32
    %dma_start3A_85 = arith.constant 0 : i32
    %dma_start3A_86 = tpu.memref_slice %arg5[%dma_start3A_84, %dma_start3A_85] : memref<100x128xf32, #tpu.memory_space<vmem_shared>> -> memref<100x128xf32, #tpu.memory_space<vmem_shared>>
    tpu.enqueue_indirect_dma source(%dma_start3A_86 : memref<100x128xf32, #tpu.memory_space<vmem_shared>>) target(%arg7 : memref<256x128xf32, #tpu.memory_space<vmem>>) offsets(%dma_start3A_83 : memref<256xi32, #tpu.memory_space<vmem>>) semaphore(%arg10 : memref<!tpu.dma_semaphore, #tpu.memory_space<semaphore_mem>>)
    %dma_wait3A_87 = arith.constant 0 : i32
    %dma_wait3A_88 = arith.constant 0 : i32
    %dma_wait3A_89 = tpu.memref_slice %arg9[%dma_wait3A_87, %dma_wait3A_88] : memref<256x128xf32, #tpu.memory_space<vmem>> -> memref<128x128xf32, #tpu.memory_space<vmem>>
    %dma_wait3A_90 = arith.constant 96 : i32
    %dma_wait3A_91 = tpu.memref_slice %arg6[%dma_wait3A_90] : memref<3128xi32, #tpu.memory_space<vmem>> -> memref<128xi32, #tpu.memory_space<vmem>>
    %dma_wait3A_92 = arith.constant 0 : i32
    %dma_wait3A_93 = arith.constant 0 : i32
    %dma_wait3A_94 = tpu.memref_slice %arg5[%dma_wait3A_92, %dma_wait3A_93] : memref<100x128xf32, #tpu.memory_space<vmem_shared>> -> memref<100x128xf32, #tpu.memory_space<vmem_shared>>
    tpu.wait_indirect_dma semaphore(%arg12 : memref<!tpu.dma_semaphore, #tpu.memory_space<semaphore_mem>>) src(%dma_wait3A_94 : memref<100x128xf32, #tpu.memory_space<vmem_shared>>) dst(%dma_wait3A_89 : memref<128x128xf32, #tpu.memory_space<vmem>>)
    %add3A_95 = arith.constant 96 : i32
    %add3A_96 = arith.addi %min3A_3, %add3A_95 : i32
    %dma_start3A_97 = arith.constant 0 : i32
    %dma_start3A_98 = arith.constant 0 : i32
    %dma_start3A_99 = tpu.memref_slice %arg9[%dma_start3A_97, %dma_start3A_98] : memref<256x128xf32, #tpu.memory_space<vmem>> -> memref<128x128xf32, #tpu.memory_space<vmem>>
    %dma_start3A_100 = arith.constant 0 : i32
    %dma_start3A_101 = tpu.memref_slice %arg4[%add3A_96, %dma_start3A_100] : memref<100000x128xf32, #tpu.memory_space<hbm>> -> memref<128x128xf32, #tpu.memory_space<hbm>>
    %dma_start3A_102 = arith.constant 0 : i32
    %dma_start3A_103 = tpu.memref_slice %arg4[%add3A_96, %dma_start3A_102] : memref<100000x128xf32, #tpu.memory_space<hbm>> -> memref<128x128xf32, #tpu.memory_space<hbm>>
    %dma_start3A_104 = arith.constant 0 : i32
    %dma_start3A_105 = arith.constant 0 : i32
    %dma_start3A_106 = tpu.memref_slice %arg9[%dma_start3A_104, %dma_start3A_105] : memref<256x128xf32, #tpu.memory_space<vmem>> -> memref<128x128xf32, #tpu.memory_space<vmem>>
    tpu.enqueue_dma source(%dma_start3A_106 : memref<128x128xf32, #tpu.memory_space<vmem>>) target(%dma_start3A_103 : memref<128x128xf32, #tpu.memory_space<hbm>>) target_semaphore(%arg15 : memref<!tpu.dma_semaphore, #tpu.memory_space<semaphore_mem>>)
    %dma_wait3A_107 = arith.constant 0 : i32
    %dma_wait3A_108 = arith.constant 0 : i32
    %dma_wait3A_109 = tpu.memref_slice %arg8[%dma_wait3A_107, %dma_wait3A_108] : memref<256x128xf32, #tpu.memory_space<vmem>> -> memref<64x128xf32, #tpu.memory_space<vmem>>
    %dma_wait3A_110 = arith.constant 0 : i32
    %dma_wait3A_111 = tpu.memref_slice %arg4[%add3A_61, %dma_wait3A_110] : memref<100000x128xf32, #tpu.memory_space<hbm>> -> memref<64x128xf32, #tpu.memory_space<hbm>>
    %dma_wait3A_112 = arith.constant 0 : i32
    %dma_wait3A_113 = tpu.memref_slice %arg4[%add3A_61, %dma_wait3A_112] : memref<100000x128xf32, #tpu.memory_space<hbm>> -> memref<64x128xf32, #tpu.memory_space<hbm>>
    %dma_wait3A_114 = arith.constant 0 : i32
    %dma_wait3A_115 = arith.constant 0 : i32
    %dma_wait3A_116 = tpu.memref_slice %arg8[%dma_wait3A_114, %dma_wait3A_115] : memref<256x128xf32, #tpu.memory_space<vmem>> -> memref<64x128xf32, #tpu.memory_space<vmem>>
    tpu.wait_dma2 semaphore(%arg14 : memref<!tpu.dma_semaphore, #tpu.memory_space<semaphore_mem>>) src(%dma_wait3A_116 : memref<64x128xf32, #tpu.memory_space<vmem>>) dst(%dma_wait3A_113 : memref<64x128xf32, #tpu.memory_space<hbm>>)
    %dma_start3A_117 = arith.constant 480 : i32
    %dma_start3A_118 = tpu.memref_slice %arg6[%dma_start3A_117] : memref<3128xi32, #tpu.memory_space<vmem>> -> memref<256xi32, #tpu.memory_space<vmem>>
    %dma_start3A_119 = arith.constant 0 : i32
    %dma_start3A_120 = arith.constant 0 : i32
    %dma_start3A_121 = tpu.memref_slice %arg5[%dma_start3A_119, %dma_start3A_120] : memref<100x128xf32, #tpu.memory_space<vmem_shared>> -> memref<100x128xf32, #tpu.memory_space<vmem_shared>>
    tpu.enqueue_indirect_dma source(%dma_start3A_121 : memref<100x128xf32, #tpu.memory_space<vmem_shared>>) target(%arg8 : memref<256x128xf32, #tpu.memory_space<vmem>>) offsets(%dma_start3A_118 : memref<256xi32, #tpu.memory_space<vmem>>) semaphore(%arg11 : memref<!tpu.dma_semaphore, #tpu.memory_space<semaphore_mem>>)
    %dma_wait3A_122 = arith.constant 224 : i32
    %dma_wait3A_123 = tpu.memref_slice %arg6[%dma_wait3A_122] : memref<3128xi32, #tpu.memory_space<vmem>> -> memref<256xi32, #tpu.memory_space<vmem>>
    %dma_wait3A_124 = arith.constant 0 : i32
    %dma_wait3A_125 = arith.constant 0 : i32
    %dma_wait3A_126 = tpu.memref_slice %arg5[%dma_wait3A_124, %dma_wait3A_125] : memref<100x128xf32, #tpu.memory_space<vmem_shared>> -> memref<100x128xf32, #tpu.memory_space<vmem_shared>>
    tpu.wait_indirect_dma semaphore(%arg10 : memref<!tpu.dma_semaphore, #tpu.memory_space<semaphore_mem>>) src(%dma_wait3A_126 : memref<100x128xf32, #tpu.memory_space<vmem_shared>>) dst(%arg7 : memref<256x128xf32, #tpu.memory_space<vmem>>)
    %add3A_127 = arith.constant 224 : i32
    %add3A_128 = arith.addi %min3A_3, %add3A_127 : i32
    %dma_start3A_129 = arith.constant 0 : i32
    %dma_start3A_130 = tpu.memref_slice %arg4[%add3A_128, %dma_start3A_129] : memref<100000x128xf32, #tpu.memory_space<hbm>> -> memref<256x128xf32, #tpu.memory_space<hbm>>
    %dma_start3A_131 = arith.constant 0 : i32
    %dma_start3A_132 = tpu.memref_slice %arg4[%add3A_128, %dma_start3A_131] : memref<100000x128xf32, #tpu.memory_space<hbm>> -> memref<256x128xf32, #tpu.memory_space<hbm>>
    tpu.enqueue_dma source(%arg7 : memref<256x128xf32, #tpu.memory_space<vmem>>) target(%dma_start3A_132 : memref<256x128xf32, #tpu.memory_space<hbm>>) target_semaphore(%arg13 : memref<!tpu.dma_semaphore, #tpu.memory_space<semaphore_mem>>)
    %dma_wait3A_133 = arith.constant 0 : i32
    %dma_wait3A_134 = arith.constant 0 : i32
    %dma_wait3A_135 = tpu.memref_slice %arg9[%dma_wait3A_133, %dma_wait3A_134] : memref<256x128xf32, #tpu.memory_space<vmem>> -> memref<128x128xf32, #tpu.memory_space<vmem>>
    %dma_wait3A_136 = arith.constant 0 : i32
    %dma_wait3A_137 = tpu.memref_slice %arg4[%add3A_96, %dma_wait3A_136] : memref<100000x128xf32, #tpu.memory_space<hbm>> -> memref<128x128xf32, #tpu.memory_space<hbm>>
    %dma_wait3A_138 = arith.constant 0 : i32
    %dma_wait3A_139 = tpu.memref_slice %arg4[%add3A_96, %dma_wait3A_138] : memref<100000x128xf32, #tpu.memory_space<hbm>> -> memref<128x128xf32, #tpu.memory_space<hbm>>
    %dma_wait3A_140 = arith.constant 0 : i32
    %dma_wait3A_141 = arith.constant 0 : i32
    %dma_wait3A_142 = tpu.memref_slice %arg9[%dma_wait3A_140, %dma_wait3A_141] : memref<256x128xf32, #tpu.memory_space<vmem>> -> memref<128x128xf32, #tpu.memory_space<vmem>>
    tpu.wait_dma2 semaphore(%arg15 : memref<!tpu.dma_semaphore, #tpu.memory_space<semaphore_mem>>) src(%dma_wait3A_142 : memref<128x128xf32, #tpu.memory_space<vmem>>) dst(%dma_wait3A_139 : memref<128x128xf32, #tpu.memory_space<hbm>>)
    %dma_start3A_143 = arith.constant 736 : i32
    %dma_start3A_144 = tpu.memref_slice %arg6[%dma_start3A_143] : memref<3128xi32, #tpu.memory_space<vmem>> -> memref<256xi32, #tpu.memory_space<vmem>>
    %dma_start3A_145 = arith.constant 0 : i32
    %dma_start3A_146 = arith.constant 0 : i32
    %dma_start3A_147 = tpu.memref_slice %arg5[%dma_start3A_145, %dma_start3A_146] : memref<100x128xf32, #tpu.memory_space<vmem_shared>> -> memref<100x128xf32, #tpu.memory_space<vmem_shared>>
    tpu.enqueue_indirect_dma source(%dma_start3A_147 : memref<100x128xf32, #tpu.memory_space<vmem_shared>>) target(%arg9 : memref<256x128xf32, #tpu.memory_space<vmem>>) offsets(%dma_start3A_144 : memref<256xi32, #tpu.memory_space<vmem>>) semaphore(%arg12 : memref<!tpu.dma_semaphore, #tpu.memory_space<semaphore_mem>>)
    %dma_wait3A_148 = arith.constant 480 : i32
    %dma_wait3A_149 = tpu.memref_slice %arg6[%dma_wait3A_148] : memref<3128xi32, #tpu.memory_space<vmem>> -> memref<256xi32, #tpu.memory_space<vmem>>
    %dma_wait3A_150 = arith.constant 0 : i32
    %dma_wait3A_151 = arith.constant 0 : i32
    %dma_wait3A_152 = tpu.memref_slice %arg5[%dma_wait3A_150, %dma_wait3A_151] : memref<100x128xf32, #tpu.memory_space<vmem_shared>> -> memref<100x128xf32, #tpu.memory_space<vmem_shared>>
    tpu.wait_indirect_dma semaphore(%arg11 : memref<!tpu.dma_semaphore, #tpu.memory_space<semaphore_mem>>) src(%dma_wait3A_152 : memref<100x128xf32, #tpu.memory_space<vmem_shared>>) dst(%arg8 : memref<256x128xf32, #tpu.memory_space<vmem>>)
    %add3A_153 = arith.constant 480 : i32
    %add3A_154 = arith.addi %min3A_3, %add3A_153 : i32
    %dma_start3A_155 = arith.constant 0 : i32
    %dma_start3A_156 = tpu.memref_slice %arg4[%add3A_154, %dma_start3A_155] : memref<100000x128xf32, #tpu.memory_space<hbm>> -> memref<256x128xf32, #tpu.memory_space<hbm>>
    %dma_start3A_157 = arith.constant 0 : i32
    %dma_start3A_158 = tpu.memref_slice %arg4[%add3A_154, %dma_start3A_157] : memref<100000x128xf32, #tpu.memory_space<hbm>> -> memref<256x128xf32, #tpu.memory_space<hbm>>
    tpu.enqueue_dma source(%arg8 : memref<256x128xf32, #tpu.memory_space<vmem>>) target(%dma_start3A_158 : memref<256x128xf32, #tpu.memory_space<hbm>>) target_semaphore(%arg14 : memref<!tpu.dma_semaphore, #tpu.memory_space<semaphore_mem>>)
    %dma_wait3A_159 = arith.constant 0 : i32
    %dma_wait3A_160 = tpu.memref_slice %arg4[%add3A_128, %dma_wait3A_159] : memref<100000x128xf32, #tpu.memory_space<hbm>> -> memref<256x128xf32, #tpu.memory_space<hbm>>
    %dma_wait3A_161 = arith.constant 0 : i32
    %dma_wait3A_162 = tpu.memref_slice %arg4[%add3A_128, %dma_wait3A_161] : memref<100000x128xf32, #tpu.memory_space<hbm>> -> memref<256x128xf32, #tpu.memory_space<hbm>>
    tpu.wait_dma2 semaphore(%arg13 : memref<!tpu.dma_semaphore, #tpu.memory_space<semaphore_mem>>) src(%arg7 : memref<256x128xf32, #tpu.memory_space<vmem>>) dst(%dma_wait3A_162 : memref<256x128xf32, #tpu.memory_space<hbm>>)
    %dma_start3A_163 = arith.constant 992 : i32
    %dma_start3A_164 = tpu.memref_slice %arg6[%dma_start3A_163] : memref<3128xi32, #tpu.memory_space<vmem>> -> memref<256xi32, #tpu.memory_space<vmem>>
    %dma_start3A_165 = arith.constant 0 : i32
    %dma_start3A_166 = arith.constant 0 : i32
    %dma_start3A_167 = tpu.memref_slice %arg5[%dma_start3A_165, %dma_start3A_166] : memref<100x128xf32, #tpu.memory_space<vmem_shared>> -> memref<100x128xf32, #tpu.memory_space<vmem_shared>>
    tpu.enqueue_indirect_dma source(%dma_start3A_167 : memref<100x128xf32, #tpu.memory_space<vmem_shared>>) target(%arg7 : memref<256x128xf32, #tpu.memory_space<vmem>>) offsets(%dma_start3A_164 : memref<256xi32, #tpu.memory_space<vmem>>) semaphore(%arg10 : memref<!tpu.dma_semaphore, #tpu.memory_space<semaphore_mem>>)
    %dma_wait3A_168 = arith.constant 736 : i32
    %dma_wait3A_169 = tpu.memref_slice %arg6[%dma_wait3A_168] : memref<3128xi32, #tpu.memory_space<vmem>> -> memref<256xi32, #tpu.memory_space<vmem>>
    %dma_wait3A_170 = arith.constant 0 : i32
    %dma_wait3A_171 = arith.constant 0 : i32
    %dma_wait3A_172 = tpu.memref_slice %arg5[%dma_wait3A_170, %dma_wait3A_171] : memref<100x128xf32, #tpu.memory_space<vmem_shared>> -> memref<100x128xf32, #tpu.memory_space<vmem_shared>>
    tpu.wait_indirect_dma semaphore(%arg12 : memref<!tpu.dma_semaphore, #tpu.memory_space<semaphore_mem>>) src(%dma_wait3A_172 : memref<100x128xf32, #tpu.memory_space<vmem_shared>>) dst(%arg9 : memref<256x128xf32, #tpu.memory_space<vmem>>)
    %add3A_173 = arith.constant 736 : i32
    %add3A_174 = arith.addi %min3A_3, %add3A_173 : i32
    %dma_start3A_175 = arith.constant 0 : i32
    %dma_start3A_176 = tpu.memref_slice %arg4[%add3A_174, %dma_start3A_175] : memref<100000x128xf32, #tpu.memory_space<hbm>> -> memref<256x128xf32, #tpu.memory_space<hbm>>
    %dma_start3A_177 = arith.constant 0 : i32
    %dma_start3A_178 = tpu.memref_slice %arg4[%add3A_174, %dma_start3A_177] : memref<100000x128xf32, #tpu.memory_space<hbm>> -> memref<256x128xf32, #tpu.memory_space<hbm>>
    tpu.enqueue_dma source(%arg9 : memref<256x128xf32, #tpu.memory_space<vmem>>) target(%dma_start3A_178 : memref<256x128xf32, #tpu.memory_space<hbm>>) target_semaphore(%arg15 : memref<!tpu.dma_semaphore, #tpu.memory_space<semaphore_mem>>)
    %dma_wait3A_179 = arith.constant 0 : i32
    %dma_wait3A_180 = tpu.memref_slice %arg4[%add3A_154, %dma_wait3A_179] : memref<100000x128xf32, #tpu.memory_space<hbm>> -> memref<256x128xf32, #tpu.memory_space<hbm>>
    %dma_wait3A_181 = arith.constant 0 : i32
    %dma_wait3A_182 = tpu.memref_slice %arg4[%add3A_154, %dma_wait3A_181] : memref<100000x128xf32, #tpu.memory_space<hbm>> -> memref<256x128xf32, #tpu.memory_space<hbm>>
    tpu.wait_dma2 semaphore(%arg14 : memref<!tpu.dma_semaphore, #tpu.memory_space<semaphore_mem>>) src(%arg8 : memref<256x128xf32, #tpu.memory_space<vmem>>) dst(%dma_wait3A_182 : memref<256x128xf32, #tpu.memory_space<hbm>>)
    %dma_start3A_183 = arith.constant 1248 : i32
    %dma_start3A_184 = tpu.memref_slice %arg6[%dma_start3A_183] : memref<3128xi32, #tpu.memory_space<vmem>> -> memref<256xi32, #tpu.memory_space<vmem>>
    %dma_start3A_185 = arith.constant 0 : i32
    %dma_start3A_186 = arith.constant 0 : i32
    %dma_start3A_187 = tpu.memref_slice %arg5[%dma_start3A_185, %dma_start3A_186] : memref<100x128xf32, #tpu.memory_space<vmem_shared>> -> memref<100x128xf32, #tpu.memory_space<vmem_shared>>
    tpu.enqueue_indirect_dma source(%dma_start3A_187 : memref<100x128xf32, #tpu.memory_space<vmem_shared>>) target(%arg8 : memref<256x128xf32, #tpu.memory_space<vmem>>) offsets(%dma_start3A_184 : memref<256xi32, #tpu.memory_space<vmem>>) semaphore(%arg11 : memref<!tpu.dma_semaphore, #tpu.memory_space<semaphore_mem>>)
    %dma_wait3A_188 = arith.constant 992 : i32
    %dma_wait3A_189 = tpu.memref_slice %arg6[%dma_wait3A_188] : memref<3128xi32, #tpu.memory_space<vmem>> -> memref<256xi32, #tpu.memory_space<vmem>>
    %dma_wait3A_190 = arith.constant 0 : i32
    %dma_wait3A_191 = arith.constant 0 : i32
    %dma_wait3A_192 = tpu.memref_slice %arg5[%dma_wait3A_190, %dma_wait3A_191] : memref<100x128xf32, #tpu.memory_space<vmem_shared>> -> memref<100x128xf32, #tpu.memory_space<vmem_shared>>
    tpu.wait_indirect_dma semaphore(%arg10 : memref<!tpu.dma_semaphore, #tpu.memory_space<semaphore_mem>>) src(%dma_wait3A_192 : memref<100x128xf32, #tpu.memory_space<vmem_shared>>) dst(%arg7 : memref<256x128xf32, #tpu.memory_space<vmem>>)
    %add3A_193 = arith.constant 992 : i32
    %add3A_194 = arith.addi %min3A_3, %add3A_193 : i32
    %dma_start3A_195 = arith.constant 0 : i32
    %dma_start3A_196 = tpu.memref_slice %arg4[%add3A_194, %dma_start3A_195] : memref<100000x128xf32, #tpu.memory_space<hbm>> -> memref<256x128xf32, #tpu.memory_space<hbm>>
    %dma_start3A_197 = arith.constant 0 : i32
    %dma_start3A_198 = tpu.memref_slice %arg4[%add3A_194, %dma_start3A_197] : memref<100000x128xf32, #tpu.memory_space<hbm>> -> memref<256x128xf32, #tpu.memory_space<hbm>>
    tpu.enqueue_dma source(%arg7 : memref<256x128xf32, #tpu.memory_space<vmem>>) target(%dma_start3A_198 : memref<256x128xf32, #tpu.memory_space<hbm>>) target_semaphore(%arg13 : memref<!tpu.dma_semaphore, #tpu.memory_space<semaphore_mem>>)
    %dma_wait3A_199 = arith.constant 0 : i32
    %dma_wait3A_200 = tpu.memref_slice %arg4[%add3A_174, %dma_wait3A_199] : memref<100000x128xf32, #tpu.memory_space<hbm>> -> memref<256x128xf32, #tpu.memory_space<hbm>>
    %dma_wait3A_201 = arith.constant 0 : i32
    %dma_wait3A_202 = tpu.memref_slice %arg4[%add3A_174, %dma_wait3A_201] : memref<100000x128xf32, #tpu.memory_space<hbm>> -> memref<256x128xf32, #tpu.memory_space<hbm>>
    tpu.wait_dma2 semaphore(%arg15 : memref<!tpu.dma_semaphore, #tpu.memory_space<semaphore_mem>>) src(%arg9 : memref<256x128xf32, #tpu.memory_space<vmem>>) dst(%dma_wait3A_202 : memref<256x128xf32, #tpu.memory_space<hbm>>)
    %dma_start3A_203 = arith.constant 1504 : i32
    %dma_start3A_204 = tpu.memref_slice %arg6[%dma_start3A_203] : memref<3128xi32, #tpu.memory_space<vmem>> -> memref<256xi32, #tpu.memory_space<vmem>>
    %dma_start3A_205 = arith.constant 0 : i32
    %dma_start3A_206 = arith.constant 0 : i32
    %dma_start3A_207 = tpu.memref_slice %arg5[%dma_start3A_205, %dma_start3A_206] : memref<100x128xf32, #tpu.memory_space<vmem_shared>> -> memref<100x128xf32, #tpu.memory_space<vmem_shared>>
    tpu.enqueue_indirect_dma source(%dma_start3A_207 : memref<100x128xf32, #tpu.memory_space<vmem_shared>>) target(%arg9 : memref<256x128xf32, #tpu.memory_space<vmem>>) offsets(%dma_start3A_204 : memref<256xi32, #tpu.memory_space<vmem>>) semaphore(%arg12 : memref<!tpu.dma_semaphore, #tpu.memory_space<semaphore_mem>>)
    %dma_wait3A_208 = arith.constant 1248 : i32
    %dma_wait3A_209 = tpu.memref_slice %arg6[%dma_wait3A_208] : memref<3128xi32, #tpu.memory_space<vmem>> -> memref<256xi32, #tpu.memory_space<vmem>>
    %dma_wait3A_210 = arith.constant 0 : i32
    %dma_wait3A_211 = arith.constant 0 : i32
    %dma_wait3A_212 = tpu.memref_slice %arg5[%dma_wait3A_210, %dma_wait3A_211] : memref<100x128xf32, #tpu.memory_space<vmem_shared>> -> memref<100x128xf32, #tpu.memory_space<vmem_shared>>
    tpu.wait_indirect_dma semaphore(%arg11 : memref<!tpu.dma_semaphore, #tpu.memory_space<semaphore_mem>>) src(%dma_wait3A_212 : memref<100x128xf32, #tpu.memory_space<vmem_shared>>) dst(%arg8 : memref<256x128xf32, #tpu.memory_space<vmem>>)
    %add3A_213 = arith.constant 1248 : i32
    %add3A_214 = arith.addi %min3A_3, %add3A_213 : i32
    %dma_start3A_215 = arith.constant 0 : i32
    %dma_start3A_216 = tpu.memref_slice %arg4[%add3A_214, %dma_start3A_215] : memref<100000x128xf32, #tpu.memory_space<hbm>> -> memref<256x128xf32, #tpu.memory_space<hbm>>
    %dma_start3A_217 = arith.constant 0 : i32
    %dma_start3A_218 = tpu.memref_slice %arg4[%add3A_214, %dma_start3A_217] : memref<100000x128xf32, #tpu.memory_space<hbm>> -> memref<256x128xf32, #tpu.memory_space<hbm>>
    tpu.enqueue_dma source(%arg8 : memref<256x128xf32, #tpu.memory_space<vmem>>) target(%dma_start3A_218 : memref<256x128xf32, #tpu.memory_space<hbm>>) target_semaphore(%arg14 : memref<!tpu.dma_semaphore, #tpu.memory_space<semaphore_mem>>)
    %dma_wait3A_219 = arith.constant 0 : i32
    %dma_wait3A_220 = tpu.memref_slice %arg4[%add3A_194, %dma_wait3A_219] : memref<100000x128xf32, #tpu.memory_space<hbm>> -> memref<256x128xf32, #tpu.memory_space<hbm>>
    %dma_wait3A_221 = arith.constant 0 : i32
    %dma_wait3A_222 = tpu.memref_slice %arg4[%add3A_194, %dma_wait3A_221] : memref<100000x128xf32, #tpu.memory_space<hbm>> -> memref<256x128xf32, #tpu.memory_space<hbm>>
    tpu.wait_dma2 semaphore(%arg13 : memref<!tpu.dma_semaphore, #tpu.memory_space<semaphore_mem>>) src(%arg7 : memref<256x128xf32, #tpu.memory_space<vmem>>) dst(%dma_wait3A_222 : memref<256x128xf32, #tpu.memory_space<hbm>>)
    %dma_start3A_223 = arith.constant 1760 : i32
    %dma_start3A_224 = tpu.memref_slice %arg6[%dma_start3A_223] : memref<3128xi32, #tpu.memory_space<vmem>> -> memref<256xi32, #tpu.memory_space<vmem>>
    %dma_start3A_225 = arith.constant 0 : i32
    %dma_start3A_226 = arith.constant 0 : i32
    %dma_start3A_227 = tpu.memref_slice %arg5[%dma_start3A_225, %dma_start3A_226] : memref<100x128xf32, #tpu.memory_space<vmem_shared>> -> memref<100x128xf32, #tpu.memory_space<vmem_shared>>
    tpu.enqueue_indirect_dma source(%dma_start3A_227 : memref<100x128xf32, #tpu.memory_space<vmem_shared>>) target(%arg7 : memref<256x128xf32, #tpu.memory_space<vmem>>) offsets(%dma_start3A_224 : memref<256xi32, #tpu.memory_space<vmem>>) semaphore(%arg10 : memref<!tpu.dma_semaphore, #tpu.memory_space<semaphore_mem>>)
    %dma_wait3A_228 = arith.constant 1504 : i32
    %dma_wait3A_229 = tpu.memref_slice %arg6[%dma_wait3A_228] : memref<3128xi32, #tpu.memory_space<vmem>> -> memref<256xi32, #tpu.memory_space<vmem>>
    %dma_wait3A_230 = arith.constant 0 : i32
    %dma_wait3A_231 = arith.constant 0 : i32
    %dma_wait3A_232 = tpu.memref_slice %arg5[%dma_wait3A_230, %dma_wait3A_231] : memref<100x128xf32, #tpu.memory_space<vmem_shared>> -> memref<100x128xf32, #tpu.memory_space<vmem_shared>>
    tpu.wait_indirect_dma semaphore(%arg12 : memref<!tpu.dma_semaphore, #tpu.memory_space<semaphore_mem>>) src(%dma_wait3A_232 : memref<100x128xf32, #tpu.memory_space<vmem_shared>>) dst(%arg9 : memref<256x128xf32, #tpu.memory_space<vmem>>)
    %add3A_233 = arith.constant 1504 : i32
    %add3A_234 = arith.addi %min3A_3, %add3A_233 : i32
    %dma_start3A_235 = arith.constant 0 : i32
    %dma_start3A_236 = tpu.memref_slice %arg4[%add3A_234, %dma_start3A_235] : memref<100000x128xf32, #tpu.memory_space<hbm>> -> memref<256x128xf32, #tpu.memory_space<hbm>>
    %dma_start3A_237 = arith.constant 0 : i32
    %dma_start3A_238 = tpu.memref_slice %arg4[%add3A_234, %dma_start3A_237] : memref<100000x128xf32, #tpu.memory_space<hbm>> -> memref<256x128xf32, #tpu.memory_space<hbm>>
    tpu.enqueue_dma source(%arg9 : memref<256x128xf32, #tpu.memory_space<vmem>>) target(%dma_start3A_238 : memref<256x128xf32, #tpu.memory_space<hbm>>) target_semaphore(%arg15 : memref<!tpu.dma_semaphore, #tpu.memory_space<semaphore_mem>>)
    %dma_wait3A_239 = arith.constant 0 : i32
    %dma_wait3A_240 = tpu.memref_slice %arg4[%add3A_214, %dma_wait3A_239] : memref<100000x128xf32, #tpu.memory_space<hbm>> -> memref<256x128xf32, #tpu.memory_space<hbm>>
    %dma_wait3A_241 = arith.constant 0 : i32
    %dma_wait3A_242 = tpu.memref_slice %arg4[%add3A_214, %dma_wait3A_241] : memref<100000x128xf32, #tpu.memory_space<hbm>> -> memref<256x128xf32, #tpu.memory_space<hbm>>
    tpu.wait_dma2 semaphore(%arg14 : memref<!tpu.dma_semaphore, #tpu.memory_space<semaphore_mem>>) src(%arg8 : memref<256x128xf32, #tpu.memory_space<vmem>>) dst(%dma_wait3A_242 : memref<256x128xf32, #tpu.memory_space<hbm>>)
    %dma_start3A_243 = arith.constant 2016 : i32
    %dma_start3A_244 = tpu.memref_slice %arg6[%dma_start3A_243] : memref<3128xi32, #tpu.memory_space<vmem>> -> memref<256xi32, #tpu.memory_space<vmem>>
    %dma_start3A_245 = arith.constant 0 : i32
    %dma_start3A_246 = arith.constant 0 : i32
    %dma_start3A_247 = tpu.memref_slice %arg5[%dma_start3A_245, %dma_start3A_246] : memref<100x128xf32, #tpu.memory_space<vmem_shared>> -> memref<100x128xf32, #tpu.memory_space<vmem_shared>>
    tpu.enqueue_indirect_dma source(%dma_start3A_247 : memref<100x128xf32, #tpu.memory_space<vmem_shared>>) target(%arg8 : memref<256x128xf32, #tpu.memory_space<vmem>>) offsets(%dma_start3A_244 : memref<256xi32, #tpu.memory_space<vmem>>) semaphore(%arg11 : memref<!tpu.dma_semaphore, #tpu.memory_space<semaphore_mem>>)
    %dma_wait3A_248 = arith.constant 1760 : i32
    %dma_wait3A_249 = tpu.memref_slice %arg6[%dma_wait3A_248] : memref<3128xi32, #tpu.memory_space<vmem>> -> memref<256xi32, #tpu.memory_space<vmem>>
    %dma_wait3A_250 = arith.constant 0 : i32
    %dma_wait3A_251 = arith.constant 0 : i32
    %dma_wait3A_252 = tpu.memref_slice %arg5[%dma_wait3A_250, %dma_wait3A_251] : memref<100x128xf32, #tpu.memory_space<vmem_shared>> -> memref<100x128xf32, #tpu.memory_space<vmem_shared>>
    tpu.wait_indirect_dma semaphore(%arg10 : memref<!tpu.dma_semaphore, #tpu.memory_space<semaphore_mem>>) src(%dma_wait3A_252 : memref<100x128xf32, #tpu.memory_space<vmem_shared>>) dst(%arg7 : memref<256x128xf32, #tpu.memory_space<vmem>>)
    %add3A_253 = arith.constant 1760 : i32
    %add3A_254 = arith.addi %min3A_3, %add3A_253 : i32
    %dma_start3A_255 = arith.constant 0 : i32
    %dma_start3A_256 = tpu.memref_slice %arg4[%add3A_254, %dma_start3A_255] : memref<100000x128xf32, #tpu.memory_space<hbm>> -> memref<256x128xf32, #tpu.memory_space<hbm>>
    %dma_start3A_257 = arith.constant 0 : i32
    %dma_start3A_258 = tpu.memref_slice %arg4[%add3A_254, %dma_start3A_257] : memref<100000x128xf32, #tpu.memory_space<hbm>> -> memref<256x128xf32, #tpu.memory_space<hbm>>
    tpu.enqueue_dma source(%arg7 : memref<256x128xf32, #tpu.memory_space<vmem>>) target(%dma_start3A_258 : memref<256x128xf32, #tpu.memory_space<hbm>>) target_semaphore(%arg13 : memref<!tpu.dma_semaphore, #tpu.memory_space<semaphore_mem>>)
    %dma_wait3A_259 = arith.constant 0 : i32
    %dma_wait3A_260 = tpu.memref_slice %arg4[%add3A_234, %dma_wait3A_259] : memref<100000x128xf32, #tpu.memory_space<hbm>> -> memref<256x128xf32, #tpu.memory_space<hbm>>
    %dma_wait3A_261 = arith.constant 0 : i32
    %dma_wait3A_262 = tpu.memref_slice %arg4[%add3A_234, %dma_wait3A_261] : memref<100000x128xf32, #tpu.memory_space<hbm>> -> memref<256x128xf32, #tpu.memory_space<hbm>>
    tpu.wait_dma2 semaphore(%arg15 : memref<!tpu.dma_semaphore, #tpu.memory_space<semaphore_mem>>) src(%arg9 : memref<256x128xf32, #tpu.memory_space<vmem>>) dst(%dma_wait3A_262 : memref<256x128xf32, #tpu.memory_space<hbm>>)
    %dma_start3A_263 = arith.constant 2272 : i32
    %dma_start3A_264 = tpu.memref_slice %arg6[%dma_start3A_263] : memref<3128xi32, #tpu.memory_space<vmem>> -> memref<256xi32, #tpu.memory_space<vmem>>
    %dma_start3A_265 = arith.constant 0 : i32
    %dma_start3A_266 = arith.constant 0 : i32
    %dma_start3A_267 = tpu.memref_slice %arg5[%dma_start3A_265, %dma_start3A_266] : memref<100x128xf32, #tpu.memory_space<vmem_shared>> -> memref<100x128xf32, #tpu.memory_space<vmem_shared>>
    tpu.enqueue_indirect_dma source(%dma_start3A_267 : memref<100x128xf32, #tpu.memory_space<vmem_shared>>) target(%arg9 : memref<256x128xf32, #tpu.memory_space<vmem>>) offsets(%dma_start3A_264 : memref<256xi32, #tpu.memory_space<vmem>>) semaphore(%arg12 : memref<!tpu.dma_semaphore, #tpu.memory_space<semaphore_mem>>)
    %dma_wait3A_268 = arith.constant 2016 : i32
    %dma_wait3A_269 = tpu.memref_slice %arg6[%dma_wait3A_268] : memref<3128xi32, #tpu.memory_space<vmem>> -> memref<256xi32, #tpu.memory_space<vmem>>
    %dma_wait3A_270 = arith.constant 0 : i32
    %dma_wait3A_271 = arith.constant 0 : i32
    %dma_wait3A_272 = tpu.memref_slice %arg5[%dma_wait3A_270, %dma_wait3A_271] : memref<100x128xf32, #tpu.memory_space<vmem_shared>> -> memref<100x128xf32, #tpu.memory_space<vmem_shared>>
    tpu.wait_indirect_dma semaphore(%arg11 : memref<!tpu.dma_semaphore, #tpu.memory_space<semaphore_mem>>) src(%dma_wait3A_272 : memref<100x128xf32, #tpu.memory_space<vmem_shared>>) dst(%arg8 : memref<256x128xf32, #tpu.memory_space<vmem>>)
    %add3A_273 = arith.constant 2016 : i32
    %add3A_274 = arith.addi %min3A_3, %add3A_273 : i32
    %dma_start3A_275 = arith.constant 0 : i32
    %dma_start3A_276 = tpu.memref_slice %arg4[%add3A_274, %dma_start3A_275] : memref<100000x128xf32, #tpu.memory_space<hbm>> -> memref<256x128xf32, #tpu.memory_space<hbm>>
    %dma_start3A_277 = arith.constant 0 : i32
    %dma_start3A_278 = tpu.memref_slice %arg4[%add3A_274, %dma_start3A_277] : memref<100000x128xf32, #tpu.memory_space<hbm>> -> memref<256x128xf32, #tpu.memory_space<hbm>>
    tpu.enqueue_dma source(%arg8 : memref<256x128xf32, #tpu.memory_space<vmem>>) target(%dma_start3A_278 : memref<256x128xf32, #tpu.memory_space<hbm>>) target_semaphore(%arg14 : memref<!tpu.dma_semaphore, #tpu.memory_space<semaphore_mem>>)
    %dma_wait3A_279 = arith.constant 0 : i32
    %dma_wait3A_280 = tpu.memref_slice %arg4[%add3A_254, %dma_wait3A_279] : memref<100000x128xf32, #tpu.memory_space<hbm>> -> memref<256x128xf32, #tpu.memory_space<hbm>>
    %dma_wait3A_281 = arith.constant 0 : i32
    %dma_wait3A_282 = tpu.memref_slice %arg4[%add3A_254, %dma_wait3A_281] : memref<100000x128xf32, #tpu.memory_space<hbm>> -> memref<256x128xf32, #tpu.memory_space<hbm>>
    tpu.wait_dma2 semaphore(%arg13 : memref<!tpu.dma_semaphore, #tpu.memory_space<semaphore_mem>>) src(%arg7 : memref<256x128xf32, #tpu.memory_space<vmem>>) dst(%dma_wait3A_282 : memref<256x128xf32, #tpu.memory_space<hbm>>)
    %dma_start3A_283 = arith.constant 2528 : i32
    %dma_start3A_284 = tpu.memref_slice %arg6[%dma_start3A_283] : memref<3128xi32, #tpu.memory_space<vmem>> -> memref<256xi32, #tpu.memory_space<vmem>>
    %dma_start3A_285 = arith.constant 0 : i32
    %dma_start3A_286 = arith.constant 0 : i32
    %dma_start3A_287 = tpu.memref_slice %arg5[%dma_start3A_285, %dma_start3A_286] : memref<100x128xf32, #tpu.memory_space<vmem_shared>> -> memref<100x128xf32, #tpu.memory_space<vmem_shared>>
    tpu.enqueue_indirect_dma source(%dma_start3A_287 : memref<100x128xf32, #tpu.memory_space<vmem_shared>>) target(%arg7 : memref<256x128xf32, #tpu.memory_space<vmem>>) offsets(%dma_start3A_284 : memref<256xi32, #tpu.memory_space<vmem>>) semaphore(%arg10 : memref<!tpu.dma_semaphore, #tpu.memory_space<semaphore_mem>>)
    %dma_wait3A_288 = arith.constant 2272 : i32
    %dma_wait3A_289 = tpu.memref_slice %arg6[%dma_wait3A_288] : memref<3128xi32, #tpu.memory_space<vmem>> -> memref<256xi32, #tpu.memory_space<vmem>>
    %dma_wait3A_290 = arith.constant 0 : i32
    %dma_wait3A_291 = arith.constant 0 : i32
    %dma_wait3A_292 = tpu.memref_slice %arg5[%dma_wait3A_290, %dma_wait3A_291] : memref<100x128xf32, #tpu.memory_space<vmem_shared>> -> memref<100x128xf32, #tpu.memory_space<vmem_shared>>
    tpu.wait_indirect_dma semaphore(%arg12 : memref<!tpu.dma_semaphore, #tpu.memory_space<semaphore_mem>>) src(%dma_wait3A_292 : memref<100x128xf32, #tpu.memory_space<vmem_shared>>) dst(%arg9 : memref<256x128xf32, #tpu.memory_space<vmem>>)
    %add3A_293 = arith.constant 2272 : i32
    %add3A_294 = arith.addi %min3A_3, %add3A_293 : i32
    %dma_start3A_295 = arith.constant 0 : i32
    %dma_start3A_296 = tpu.memref_slice %arg4[%add3A_294, %dma_start3A_295] : memref<100000x128xf32, #tpu.memory_space<hbm>> -> memref<256x128xf32, #tpu.memory_space<hbm>>
    %dma_start3A_297 = arith.constant 0 : i32
    %dma_start3A_298 = tpu.memref_slice %arg4[%add3A_294, %dma_start3A_297] : memref<100000x128xf32, #tpu.memory_space<hbm>> -> memref<256x128xf32, #tpu.memory_space<hbm>>
    tpu.enqueue_dma source(%arg9 : memref<256x128xf32, #tpu.memory_space<vmem>>) target(%dma_start3A_298 : memref<256x128xf32, #tpu.memory_space<hbm>>) target_semaphore(%arg15 : memref<!tpu.dma_semaphore, #tpu.memory_space<semaphore_mem>>)
    %dma_wait3A_299 = arith.constant 0 : i32
    %dma_wait3A_300 = tpu.memref_slice %arg4[%add3A_274, %dma_wait3A_299] : memref<100000x128xf32, #tpu.memory_space<hbm>> -> memref<256x128xf32, #tpu.memory_space<hbm>>
    %dma_wait3A_301 = arith.constant 0 : i32
    %dma_wait3A_302 = tpu.memref_slice %arg4[%add3A_274, %dma_wait3A_301] : memref<100000x128xf32, #tpu.memory_space<hbm>> -> memref<256x128xf32, #tpu.memory_space<hbm>>
    tpu.wait_dma2 semaphore(%arg14 : memref<!tpu.dma_semaphore, #tpu.memory_space<semaphore_mem>>) src(%arg8 : memref<256x128xf32, #tpu.memory_space<vmem>>) dst(%dma_wait3A_302 : memref<256x128xf32, #tpu.memory_space<hbm>>)
    %dma_start3A_303 = arith.constant 0 : i32
    %dma_start3A_304 = arith.constant 0 : i32
    %dma_start3A_305 = tpu.memref_slice %arg8[%dma_start3A_303, %dma_start3A_304] : memref<256x128xf32, #tpu.memory_space<vmem>> -> memref<192x128xf32, #tpu.memory_space<vmem>>
    %dma_start3A_306 = arith.constant 2784 : i32
    %dma_start3A_307 = tpu.memref_slice %arg6[%dma_start3A_306] : memref<3128xi32, #tpu.memory_space<vmem>> -> memref<192xi32, #tpu.memory_space<vmem>>
    %dma_start3A_308 = arith.constant 0 : i32
    %dma_start3A_309 = arith.constant 0 : i32
    %dma_start3A_310 = tpu.memref_slice %arg5[%dma_start3A_308, %dma_start3A_309] : memref<100x128xf32, #tpu.memory_space<vmem_shared>> -> memref<100x128xf32, #tpu.memory_space<vmem_shared>>
    tpu.enqueue_indirect_dma source(%dma_start3A_310 : memref<100x128xf32, #tpu.memory_space<vmem_shared>>) target(%dma_start3A_305 : memref<192x128xf32, #tpu.memory_space<vmem>>) offsets(%dma_start3A_307 : memref<192xi32, #tpu.memory_space<vmem>>) semaphore(%arg11 : memref<!tpu.dma_semaphore, #tpu.memory_space<semaphore_mem>>)
    %dma_wait3A_311 = arith.constant 2528 : i32
    %dma_wait3A_312 = tpu.memref_slice %arg6[%dma_wait3A_311] : memref<3128xi32, #tpu.memory_space<vmem>> -> memref<256xi32, #tpu.memory_space<vmem>>
    %dma_wait3A_313 = arith.constant 0 : i32
    %dma_wait3A_314 = arith.constant 0 : i32
    %dma_wait3A_315 = tpu.memref_slice %arg5[%dma_wait3A_313, %dma_wait3A_314] : memref<100x128xf32, #tpu.memory_space<vmem_shared>> -> memref<100x128xf32, #tpu.memory_space<vmem_shared>>
    tpu.wait_indirect_dma semaphore(%arg10 : memref<!tpu.dma_semaphore, #tpu.memory_space<semaphore_mem>>) src(%dma_wait3A_315 : memref<100x128xf32, #tpu.memory_space<vmem_shared>>) dst(%arg7 : memref<256x128xf32, #tpu.memory_space<vmem>>)
    %add3A_316 = arith.constant 2528 : i32
    %add3A_317 = arith.addi %min3A_3, %add3A_316 : i32
    %dma_start3A_318 = arith.constant 0 : i32
    %dma_start3A_319 = tpu.memref_slice %arg4[%add3A_317, %dma_start3A_318] : memref<100000x128xf32, #tpu.memory_space<hbm>> -> memref<256x128xf32, #tpu.memory_space<hbm>>
    %dma_start3A_320 = arith.constant 0 : i32
    %dma_start3A_321 = tpu.memref_slice %arg4[%add3A_317, %dma_start3A_320] : memref<100000x128xf32, #tpu.memory_space<hbm>> -> memref<256x128xf32, #tpu.memory_space<hbm>>
    tpu.enqueue_dma source(%arg7 : memref<256x128xf32, #tpu.memory_space<vmem>>) target(%dma_start3A_321 : memref<256x128xf32, #tpu.memory_space<hbm>>) target_semaphore(%arg13 : memref<!tpu.dma_semaphore, #tpu.memory_space<semaphore_mem>>)
    %dma_wait3A_322 = arith.constant 0 : i32
    %dma_wait3A_323 = tpu.memref_slice %arg4[%add3A_294, %dma_wait3A_322] : memref<100000x128xf32, #tpu.memory_space<hbm>> -> memref<256x128xf32, #tpu.memory_space<hbm>>
    %dma_wait3A_324 = arith.constant 0 : i32
    %dma_wait3A_325 = tpu.memref_slice %arg4[%add3A_294, %dma_wait3A_324] : memref<100000x128xf32, #tpu.memory_space<hbm>> -> memref<256x128xf32, #tpu.memory_space<hbm>>
    tpu.wait_dma2 semaphore(%arg15 : memref<!tpu.dma_semaphore, #tpu.memory_space<semaphore_mem>>) src(%arg9 : memref<256x128xf32, #tpu.memory_space<vmem>>) dst(%dma_wait3A_325 : memref<256x128xf32, #tpu.memory_space<hbm>>)
    %dma_start3A_326 = arith.constant 0 : i32
    %dma_start3A_327 = arith.constant 0 : i32
    %dma_start3A_328 = tpu.memref_slice %arg9[%dma_start3A_326, %dma_start3A_327] : memref<256x128xf32, #tpu.memory_space<vmem>> -> memref<152x128xf32, #tpu.memory_space<vmem>>
    %dma_start3A_329 = arith.constant 2976 : i32
    %dma_start3A_330 = tpu.memref_slice %arg6[%dma_start3A_329] : memref<3128xi32, #tpu.memory_space<vmem>> -> memref<152xi32, #tpu.memory_space<vmem>>
    %dma_start3A_331 = arith.constant 0 : i32
    %dma_start3A_332 = arith.constant 0 : i32
    %dma_start3A_333 = tpu.memref_slice %arg5[%dma_start3A_331, %dma_start3A_332] : memref<100x128xf32, #tpu.memory_space<vmem_shared>> -> memref<100x128xf32, #tpu.memory_space<vmem_shared>>
    tpu.enqueue_indirect_dma source(%dma_start3A_333 : memref<100x128xf32, #tpu.memory_space<vmem_shared>>) target(%dma_start3A_328 : memref<152x128xf32, #tpu.memory_space<vmem>>) offsets(%dma_start3A_330 : memref<152xi32, #tpu.memory_space<vmem>>) semaphore(%arg12 : memref<!tpu.dma_semaphore, #tpu.memory_space<semaphore_mem>>)
    %dma_wait3A_334 = arith.constant 0 : i32
    %dma_wait3A_335 = arith.constant 0 : i32
    %dma_wait3A_336 = tpu.memref_slice %arg8[%dma_wait3A_334, %dma_wait3A_335] : memref<256x128xf32, #tpu.memory_space<vmem>> -> memref<192x128xf32, #tpu.memory_space<vmem>>
    %dma_wait3A_337 = arith.constant 2784 : i32
    %dma_wait3A_338 = tpu.memref_slice %arg6[%dma_wait3A_337] : memref<3128xi32, #tpu.memory_space<vmem>> -> memref<192xi32, #tpu.memory_space<vmem>>
    %dma_wait3A_339 = arith.constant 0 : i32
    %dma_wait3A_340 = arith.constant 0 : i32
    %dma_wait3A_341 = tpu.memref_slice %arg5[%dma_wait3A_339, %dma_wait3A_340] : memref<100x128xf32, #tpu.memory_space<vmem_shared>> -> memref<100x128xf32, #tpu.memory_space<vmem_shared>>
    tpu.wait_indirect_dma semaphore(%arg11 : memref<!tpu.dma_semaphore, #tpu.memory_space<semaphore_mem>>) src(%dma_wait3A_341 : memref<100x128xf32, #tpu.memory_space<vmem_shared>>) dst(%dma_wait3A_336 : memref<192x128xf32, #tpu.memory_space<vmem>>)
    %add3A_342 = arith.constant 2784 : i32
    %add3A_343 = arith.addi %min3A_3, %add3A_342 : i32
    %dma_start3A_344 = arith.constant 0 : i32
    %dma_start3A_345 = arith.constant 0 : i32
    %dma_start3A_346 = tpu.memref_slice %arg8[%dma_start3A_344, %dma_start3A_345] : memref<256x128xf32, #tpu.memory_space<vmem>> -> memref<192x128xf32, #tpu.memory_space<vmem>>
    %dma_start3A_347 = arith.constant 0 : i32
    %dma_start3A_348 = tpu.memref_slice %arg4[%add3A_343, %dma_start3A_347] : memref<100000x128xf32, #tpu.memory_space<hbm>> -> memref<192x128xf32, #tpu.memory_space<hbm>>
    %dma_start3A_349 = arith.constant 0 : i32
    %dma_start3A_350 = tpu.memref_slice %arg4[%add3A_343, %dma_start3A_349] : memref<100000x128xf32, #tpu.memory_space<hbm>> -> memref<192x128xf32, #tpu.memory_space<hbm>>
    %dma_start3A_351 = arith.constant 0 : i32
    %dma_start3A_352 = arith.constant 0 : i32
    %dma_start3A_353 = tpu.memref_slice %arg8[%dma_start3A_351, %dma_start3A_352] : memref<256x128xf32, #tpu.memory_space<vmem>> -> memref<192x128xf32, #tpu.memory_space<vmem>>
    tpu.enqueue_dma source(%dma_start3A_353 : memref<192x128xf32, #tpu.memory_space<vmem>>) target(%dma_start3A_350 : memref<192x128xf32, #tpu.memory_space<hbm>>) target_semaphore(%arg14 : memref<!tpu.dma_semaphore, #tpu.memory_space<semaphore_mem>>)
    %dma_wait3A_354 = arith.constant 0 : i32
    %dma_wait3A_355 = arith.constant 0 : i32
    %dma_wait3A_356 = tpu.memref_slice %arg9[%dma_wait3A_354, %dma_wait3A_355] : memref<256x128xf32, #tpu.memory_space<vmem>> -> memref<152x128xf32, #tpu.memory_space<vmem>>
    %dma_wait3A_357 = arith.constant 2976 : i32
    %dma_wait3A_358 = tpu.memref_slice %arg6[%dma_wait3A_357] : memref<3128xi32, #tpu.memory_space<vmem>> -> memref<152xi32, #tpu.memory_space<vmem>>
    %dma_wait3A_359 = arith.constant 0 : i32
    %dma_wait3A_360 = arith.constant 0 : i32
    %dma_wait3A_361 = tpu.memref_slice %arg5[%dma_wait3A_359, %dma_wait3A_360] : memref<100x128xf32, #tpu.memory_space<vmem_shared>> -> memref<100x128xf32, #tpu.memory_space<vmem_shared>>
    tpu.wait_indirect_dma semaphore(%arg12 : memref<!tpu.dma_semaphore, #tpu.memory_space<semaphore_mem>>) src(%dma_wait3A_361 : memref<100x128xf32, #tpu.memory_space<vmem_shared>>) dst(%dma_wait3A_356 : memref<152x128xf32, #tpu.memory_space<vmem>>)
    %add3A_362 = arith.constant 2976 : i32
    %add3A_363 = arith.addi %min3A_3, %add3A_362 : i32
    %dma_start3A_364 = arith.constant 0 : i32
    %dma_start3A_365 = arith.constant 0 : i32
    %dma_start3A_366 = tpu.memref_slice %arg9[%dma_start3A_364, %dma_start3A_365] : memref<256x128xf32, #tpu.memory_space<vmem>> -> memref<152x128xf32, #tpu.memory_space<vmem>>
    %dma_start3A_367 = arith.constant 0 : i32
    %dma_start3A_368 = tpu.memref_slice %arg4[%add3A_363, %dma_start3A_367] : memref<100000x128xf32, #tpu.memory_space<hbm>> -> memref<152x128xf32, #tpu.memory_space<hbm>>
    %dma_start3A_369 = arith.constant 0 : i32
    %dma_start3A_370 = tpu.memref_slice %arg4[%add3A_363, %dma_start3A_369] : memref<100000x128xf32, #tpu.memory_space<hbm>> -> memref<152x128xf32, #tpu.memory_space<hbm>>
    %dma_start3A_371 = arith.constant 0 : i32
    %dma_start3A_372 = arith.constant 0 : i32
    %dma_start3A_373 = tpu.memref_slice %arg9[%dma_start3A_371, %dma_start3A_372] : memref<256x128xf32, #tpu.memory_space<vmem>> -> memref<152x128xf32, #tpu.memory_space<vmem>>
    tpu.enqueue_dma source(%dma_start3A_373 : memref<152x128xf32, #tpu.memory_space<vmem>>) target(%dma_start3A_370 : memref<152x128xf32, #tpu.memory_space<hbm>>) target_semaphore(%arg15 : memref<!tpu.dma_semaphore, #tpu.memory_space<semaphore_mem>>)
    %dma_wait3A_374 = arith.constant 0 : i32
    %dma_wait3A_375 = tpu.memref_slice %arg4[%add3A_317, %dma_wait3A_374] : memref<100000x128xf32, #tpu.memory_space<hbm>> -> memref<256x128xf32, #tpu.memory_space<hbm>>
    %dma_wait3A_376 = arith.constant 0 : i32
    %dma_wait3A_377 = tpu.memref_slice %arg4[%add3A_317, %dma_wait3A_376] : memref<100000x128xf32, #tpu.memory_space<hbm>> -> memref<256x128xf32, #tpu.memory_space<hbm>>
    tpu.wait_dma2 semaphore(%arg13 : memref<!tpu.dma_semaphore, #tpu.memory_space<semaphore_mem>>) src(%arg7 : memref<256x128xf32, #tpu.memory_space<vmem>>) dst(%dma_wait3A_377 : memref<256x128xf32, #tpu.memory_space<hbm>>)
    %dma_wait3A_378 = arith.constant 0 : i32
    %dma_wait3A_379 = arith.constant 0 : i32
    %dma_wait3A_380 = tpu.memref_slice %arg8[%dma_wait3A_378, %dma_wait3A_379] : memref<256x128xf32, #tpu.memory_space<vmem>> -> memref<192x128xf32, #tpu.memory_space<vmem>>
    %dma_wait3A_381 = arith.constant 0 : i32
    %dma_wait3A_382 = tpu.memref_slice %arg4[%add3A_343, %dma_wait3A_381] : memref<100000x128xf32, #tpu.memory_space<hbm>> -> memref<192x128xf32, #tpu.memory_space<hbm>>
    %dma_wait3A_383 = arith.constant 0 : i32
    %dma_wait3A_384 = tpu.memref_slice %arg4[%add3A_343, %dma_wait3A_383] : memref<100000x128xf32, #tpu.memory_space<hbm>> -> memref<192x128xf32, #tpu.memory_space<hbm>>
    %dma_wait3A_385 = arith.constant 0 : i32
    %dma_wait3A_386 = arith.constant 0 : i32
    %dma_wait3A_387 = tpu.memref_slice %arg8[%dma_wait3A_385, %dma_wait3A_386] : memref<256x128xf32, #tpu.memory_space<vmem>> -> memref<192x128xf32, #tpu.memory_space<vmem>>
    tpu.wait_dma2 semaphore(%arg14 : memref<!tpu.dma_semaphore, #tpu.memory_space<semaphore_mem>>) src(%dma_wait3A_387 : memref<192x128xf32, #tpu.memory_space<vmem>>) dst(%dma_wait3A_384 : memref<192x128xf32, #tpu.memory_space<hbm>>)
    %dma_wait3A_388 = arith.constant 0 : i32
    %dma_wait3A_389 = arith.constant 0 : i32
    %dma_wait3A_390 = tpu.memref_slice %arg9[%dma_wait3A_388, %dma_wait3A_389] : memref<256x128xf32, #tpu.memory_space<vmem>> -> memref<152x128xf32, #tpu.memory_space<vmem>>
    %dma_wait3A_391 = arith.constant 0 : i32
    %dma_wait3A_392 = tpu.memref_slice %arg4[%add3A_363, %dma_wait3A_391] : memref<100000x128xf32, #tpu.memory_space<hbm>> -> memref<152x128xf32, #tpu.memory_space<hbm>>
    %dma_wait3A_393 = arith.constant 0 : i32
    %dma_wait3A_394 = tpu.memref_slice %arg4[%add3A_363, %dma_wait3A_393] : memref<100000x128xf32, #tpu.memory_space<hbm>> -> memref<152x128xf32, #tpu.memory_space<hbm>>
    %dma_wait3A_395 = arith.constant 0 : i32
    %dma_wait3A_396 = arith.constant 0 : i32
    %dma_wait3A_397 = tpu.memref_slice %arg9[%dma_wait3A_395, %dma_wait3A_396] : memref<256x128xf32, #tpu.memory_space<vmem>> -> memref<152x128xf32, #tpu.memory_space<vmem>>
    tpu.wait_dma2 semaphore(%arg15 : memref<!tpu.dma_semaphore, #tpu.memory_space<semaphore_mem>>) src(%dma_wait3A_397 : memref<152x128xf32, #tpu.memory_space<vmem>>) dst(%dma_wait3A_394 : memref<152x128xf32, #tpu.memory_space<hbm>>)
    return
  }
}

</mosaic_0001>

<sc_bundles>
// kernel: _gather.3.cloned.1.call-start
scs
__scs_entry_jumppad:
0x0: {  	(pc) =	sbr.rel $0x88, $3  }
0x1: {  	(tag) =	ssettag $0x0;
	lr =	simm.s32 $0x1  }
0x2: {  	[smem:$0x3F9F] =	sst lr;
	_ =	strace $0xD0000000  }
0x3: {  	_ = 	snop  }
0x4: {  	_ = 	snop  }
0x5: {  	_ = 	snop  }
0x6: {  	_ = 	snop  }
0x7: {  	_ = 	snop  }
__scs_overlays_trampoline_lowered:
0x8: {  	[smem:$0x3FAE] =	sst s0  }
0x9: {  	[smem:$0x3FAF] =	sst s1  }
0xa: {  	[smem:$0x3FB0] =	sst s2  }
0xb: {  	[smem:$0x3FB1] =	sst s3  }
0xc: {  	[smem:$0x3FB2] =	sst s4  }
0xd: {  	[smem:$0x3FB3] =	sst s5  }
0xe: {  	[smem:$0x3FB4] =	sst s6  }
0xf: {  	[smem:$0x3FB5] =	sst s7  }
0x10: {  	[smem:$0x3FB6] =	sst s8  }
0x11: {  	[smem:$0x3FB7] =	sst s9;
	s0 =	simm.s32 @!p0 $0x0  }
0x12: {  	s1 =	sld [smem:$0x3F9D];
	s0 =	simm.s32 @p0 $0x1  }
0x13: {  	[smem:$0x3FB8] =	sst s0;
	s0 =	simm.s32 @!p1 $0x0  }
0x14: {  	s2 =	sld [smem:$0x3F9C];
	s0 =	simm.s32 @p1 $0x1  }
0x15: {  	[smem:$0x3FB9] =	sst s0;
	s0 =	simm.s32 @!p2 $0x0  }
0x16: {  	s3 =	sld [smem:$0x3FDB];
	s0 =	simm.s32 @p2 $0x1  }
0x17: {  	s4 =	simm.s32 $0x1BF5;
	[smem:$0x3FBB] =	sst s0  }
0x18: {  	s0 =	sld [smem:$0x3F9E];
	_ =	swait.ge [sflag:s4], $0x0  }
0x19: {  	s7 =	sld [smem:$0x3F9F]  }
0x1a: {  	s8 =	sadd.s32 $0xFFFFE003, lr  }
0x1b: {  	s9 =	sadd.s32 $0xFFFFFEF7, lr;
	s5 =	simm.s32 $0xFFFFFFFF;
	p2 =	slt.u32 s8, $0xFFFFF086  }
0x1c: {  	p1 =	slt.u32 s9, $0xF7A;
	s5 =	simm.s32 @!p2 $0x0  }
0x1d: {  	s5 =	simm.s32 @p1 $0x1;
	p0 =	seq.s32 s7, s2  }
0x1e: {  	s7 =	smul.u32 @!p0 $0xF7A, s2;
	p2 =	seq.s32 @!p0 s5, $0x0  }
0x1f: {  	s9 =	smul.u32 $0xF7A, s1;
	s8 =	simm.s32 @!p0 $0x1BF5;
	p2 =	por !p2, p0  }
0x20: {  	[sflag:s8] =	ssyncset.s32 @!p0 $0xFFFFF086;
	s6 =	sadd.s32 @!p0 s3, s7;
	s7 =	simm.s32 @!p0 $0x108  }
0x21: {  	s3 =	sadd.s32 s3, s9;
	s6 =	sadd.s32 @!p0 $0x88, s6;
	s7 =	simm.s32 @p2 $0x1082  }
0x22: {  	[simem:s7], [sflag:s8] =	dma.local @!p0 [hbm:s6], $0xF7A  }
0x23: {  	s9 =	sor.u32 $0xD0000000, s2;
	s6 =	simm.s32 $0x108;
	_ =	swait.ge @!p0 [sflag:s8], $0x0  }
0x24: {  	s3 =	sadd.s32 $0x88, s3;
	s6 =	simm.s32 @!p1 $0x1082;
	[sflag:s4] =	ssyncset.s32 $0xFFFFF086  }
0x25: {  	[simem:s6], [sflag:s4] =	dma.local [hbm:s3], $0xF7A  }
0x26: {  	[smem:$0x3F9F] =	sst s1;
	(tag) =	ssettag s2;
	_ =	strace s9  }
0x27: {  	s1 =	sld [smem:$0x3FAF]  }
0x28: {  	s2 =	sld [smem:$0x3FB0]  }
0x29: {  	s4 =	sld [smem:$0x3FB2]  }
0x2a: {  	p0 =	seq.s32 s5, $0x0;
	s5 =	sld [smem:$0x3FB3]  }
0x2b: {  	s6 =	sld [smem:$0x3FB4]  }
0x2c: {  	s7 =	sld [smem:$0x3FB5]  }
0x2d: {  	s3 =	simm.s32 $0x108;
	s8 =	sld [smem:$0x3FB6]  }
0x2e: {  	s3 =	simm.s32 @!p0 $0x1082;
	s9 =	sld [smem:$0x3FB7]  }
0x2f: {  	lr =	sadd.s32 s0, s3;
	s0 =	sld [smem:$0x3FAE]  }
0x30: {  	s3 =	sld [smem:$0x3FB1]  }
0x31: {  	[smem:$0x3FBA] =	sst s10  }
0x32: {  	s10 =	sld [smem:$0x3FB8];
	_ =	sdelay $0x3  }
0x33: {  	p0 =	seq.s32 s10, $0x1;
	s10 =	sld [smem:$0x3FBA];
	_ =	sdelay $0x3  }
0x34: {  	[smem:$0x3FBA] =	sst s10  }
0x35: {  	s10 =	sld [smem:$0x3FB9];
	_ =	sdelay $0x3  }
0x36: {  	p1 =	seq.s32 s10, $0x1;
	s10 =	sld [smem:$0x3FBA];
	_ =	sdelay $0x3  }
0x37: {  	[smem:$0x3FBA] =	sst s10  }
0x38: {  	s10 =	sld [smem:$0x3FBB]  }
0x39: {  	_ = 	snop;
	(pc) =	sbr.ind lr, $3  }
0x3a: {  	_ = 	snop  }
0x3b: {  	_ = 	snop  }
0x3c: {  	p2 =	seq.s32 s10, $0x1;
	s10 =	sld [smem:$0x3FBA]  }
0x3d: {  	_ =	shalt  }
0x3e: {  	_ =	shalt  }
0x3f: {  	_ =	shalt  }
0x40: {  	_ =	shalt  }
0x41: {  	_ =	shalt  }
0x42: {  	_ =	shalt  }
0x43: {  	_ =	shalt  }
0x44: {  	_ =	shalt  }
0x45: {  	_ =	shalt  }
0x46: {  	_ =	shalt  }
0x47: {  	_ =	shalt  }
0x48: {  	_ =	shalt  }
0x49: {  	_ =	shalt  }
0x4a: {  	_ =	shalt  }
0x4b: {  	_ =	shalt  }
0x4c: {  	_ =	shalt  }
0x4d: {  	_ =	shalt  }
0x4e: {  	_ =	shalt  }
0x4f: {  	_ =	shalt  }
0x50: {  	_ =	shalt  }
0x51: {  	_ =	shalt  }
0x52: {  	_ =	shalt  }
0x53: {  	_ =	shalt  }
0x54: {  	_ =	shalt  }
0x55: {  	_ =	shalt  }
0x56: {  	_ =	shalt  }
0x57: {  	_ =	shalt  }
0x58: {  	_ =	shalt  }
0x59: {  	_ =	shalt  }
0x5a: {  	_ =	shalt  }
0x5b: {  	_ =	shalt  }
0x5c: {  	_ =	shalt  }
0x5d: {  	_ =	shalt  }
0x5e: {  	_ =	shalt  }
0x5f: {  	_ =	shalt  }
0x60: {  	_ =	shalt  }
0x61: {  	_ =	shalt  }
0x62: {  	_ =	shalt  }
0x63: {  	_ =	shalt  }
0x64: {  	_ =	shalt  }
0x65: {  	_ =	shalt  }
0x66: {  	_ =	shalt  }
0x67: {  	_ =	shalt  }
0x68: {  	_ =	shalt  }
0x69: {  	_ =	shalt  }
0x6a: {  	_ =	shalt  }
0x6b: {  	_ =	shalt  }
0x6c: {  	_ =	shalt  }
0x6d: {  	_ =	shalt  }
0x6e: {  	_ =	shalt  }
0x6f: {  	_ =	shalt  }
0x70: {  	_ =	shalt  }
0x71: {  	_ =	shalt  }
0x72: {  	_ =	shalt  }
0x73: {  	_ =	shalt  }
0x74: {  	_ =	shalt  }
0x75: {  	_ =	shalt  }
0x76: {  	_ =	shalt  }
0x77: {  	_ =	shalt  }
0x78: {  	_ =	shalt  }
0x79: {  	_ =	shalt  }
0x7a: {  	_ =	shalt  }
0x7b: {  	_ =	shalt  }
0x7c: {  	_ =	shalt  }
0x7d: {  	_ =	shalt  }
0x7e: {  	_ =	shalt  }
0x7f: {  	_ =	shalt  }
0x80: {  	_ =	shalt  }
0x81: {  	_ =	shalt  }
0x82: {  	_ =	shalt  }
0x83: {  	_ =	shalt  }
0x84: {  	_ =	shalt  }
0x85: {  	_ =	shalt  }
0x86: {  	_ =	shalt  }
0x87: {  	_ =	shalt  }
.Lfunc_end0:
.L_simem_size_0:
called_computation_lowered:
.L_overlay_start_0:
0x88: {  	s2 =	sld [smem:$0x3FD9]  }
0x89: {  	s3 =	sld [smem:$0x3FFE];
	_ =	sdelay $0x1  }
0x8a: {  	s1 =	srdreg.scid  }
0x8b: {  	s0 =	sand.u32 $0x1, s1  }
0x8c: {  	s18 =	sshll.u32 s0, $0xA;
	s2 =	sadd.s32 s3, s2  }
0x8d: {  	s2 =	sadd.s32 s2, s18  }
0x8e: {  	[smem:$0x3FC6] =	sst s2  }
0x8f: {  	_ = 	snop  }
0x90: {  	s2 =	sld [smem:$0x3FC9]  }
0x91: {  	s19 =	sld [smem:$0x3FC8]  }
0x92: {  	s4 =	sld [smem:$0x3FD0];
	(tm) =	ssettm $0x1  }
0x93: {  	s5 =	sld [smem:$0x3FFB];
	_ =	sdelay $0x3  }
0x94: {  	_ =	strace s5  }
0x95: {  	s5 =	sld [smem:$0x3FFC];
	_ =	sdelay $0x3  }
0x96: {  	_ =	strace s5  }
0x97: {  	s5 =	sld [smem:$0x3FFD];
	_ =	sdelay $0x3  }
0x98: {  	_ =	strace s5  }
0x99: {  	_ =	strace $0x8FFFFFFF  }
0x9a: {  	s20 =	sld [smem:$0x3FDB];
	_ =	sdelay $0x1  }
0x9b: {  	s6 =	simm.s32 $_scs_section_size  }
0x9c: {  	s7 =	simm.s32 $_size__tile_overlayer_lowered;
	s8 =	simm.s32 $_tile_overlayer_lowered  }
0x9d: {  	s23 =	simm.s32 $0x1BFF;
	s22 =	sshll.u32 s8, $0x1;
	s5 =	sadd.s32 s6, s20  }
0x9e: {  	s9 =	simm.s32 $0x0;
	s21 =	sshll.u32 s7, $0x1;
	s7 =	sadd.s32 s22, s5  }
0x9f: {  	[timem:s9], [sflag:s23] =	dma.local [hbm:s7], s21  }
0xa0: {  	_ =	swait.ge [sflag:s23], s21  }
0xa1: {  	s6 =	ssub.s32 $0x0, s21;
	[sflag:s23] =	ssyncset.done $0x0  }
0xa2: {  	[sflag:s23] =	ssyncadd.s32 s6;
	_ =	sdelay $0x1  }
0xa3: {  	s24 =	simm.s32 $0x1B8B  }
0xa4: {  	_ =	swait.ge [sflag:s24], $0x1  }
0xa5: {  	[sflag:s24] =	ssyncset.done $0x0  }
0xa6: {  	s25 =	simm.s32 $0x1B8E;
	[sflag:s24] =	ssyncadd.s32 $0xFFFFFFFF  }
0xa7: {  	s26 =	simm.s32 $execute0_lowered;
	[smem:$0x3FD2] =	sst s25  }
0xa8: {  	s6 =	sshll.u32 s26, $0x1;
	_ =	strace $0x80000046;
	[dreg:$0x1] =	wrdreg $0xFFFFFFFF  }
0xa9: {  	s28 =	simm.s32 $_size_execute0_lowered;
	s5 =	sadd.s32 s5, s6;
	[dreg:$0x0] =	wrdreg $0x0  }
0xaa: {  	s6 =	sshll.u32 s28, $0x1;
	[dreg:$0x2] =	wrdreg s5  }
0xab: {  	[dreg:$0x3] =	wrdreg s6  }
0xac: {  	[dreg:$0x4] =	wrdreg $0xC0  }
0xad: {  	_ =	task [dreg:s9], $0x5FFFF  }
0xae: {  	[dreg:$0x1] =	wrdreg $0xFFFFFFFF  }
0xaf: {  	[dreg:$0x0] =	wrdreg $0x60  }
0xb0: {  	[dreg:$0x2] =	wrdreg s2  }
0xb1: {  	[dreg:$0x3] =	wrdreg s19  }
0xb2: {  	[dreg:$0x4] =	wrdreg s4  }
0xb3: {  	[dreg:$0x5] =	wrdreg $0x0  }
0xb4: {  	[dreg:$0x6] =	wrdreg $0x9  }
0xb5: {  	_ =	task.clear_ibuf [dreg:s9], $0x7FFFF;
	_ =	strace $0x90000046  }
0xb6: {  	s29 =	simm.s32 $0x9;
	_ =	strace $0x80000048  }
0xb7: {  	_ =	swait.ge [sflag:s29], $0x1  }
0xb8: {  	[sflag:s29] =	ssyncadd.s32 $0xFFFFFFFF  }
0xb9: {  	_ =	strace $0x90000048  }
0xba: {  	_ =	sfence  }
0xbb: {  	s30 =	sld [smem:$0x0];
	_ =	sdelay $0x2  }
0xbc: {  	s31 =	sshll.u32 s1, $0xD;
	s1 =	sshrl.u32 s1, $0x2  }
0xbd: {  	s3 =	sand.u32 $0x4000, s31;
	s1 =	sadd.s32 s1, s30  }
0xbe: {  	s0 =	sor.u32 s3, s0;
	s1 =	sshll.u32 s1, $0x11  }
0xbf: {  	s0 =	sor.u32 s1, s0  }
0xc0: {  	s0 =	sadd.s32 $0x8F2B, s0  }
0xc1: {  	[sflag:s0] =	ssyncadd.remote.s32 $0x1  }
0xc2: {  	_ =	sfence.sel $0xFFFF  }
0xc3: {  	[dreg:$0x0] =	wrdreg $0xFFFFFFFF;
	(pc) =	sbr.abs _section_cstart, $3  }
0xc4: {  	[dreg:$0x1] =	wrdreg $0xFFFFFFFF  }
0xc5: {  	_ =	task.clear_ibuf [dreg:s9], $0x2FFFF;
	_ =	strace $0x9FFFFFFF  }
0xc6: {  	(tm) =	ssettm $0x7FFFFFFF  }
0xc7: {  	_ =	shalt  }
tec
execute0_lowered:
.L_overlay_start_1:
0x0: {  	(tag) =	ssettag $0x1  }
0x1: {  	s0 =	rddreg [dreg:$0x0]  }
0x2: {  	s3 =	rddreg [dreg:$0x1]  }
0x3: {  	s1 =	srdreg.scid;
	s5 =	rddreg [dreg:$0x2]  }
0x4: {  	s4 =	stileid.u32;
	[dreg:$0x5] =	wrdreg s0  }
0x5: {  	s2 =	simm.s32 $0x0;
	s31 =	sand.u32 $0x1, s1;
	s1 =	rddreg [dreg:$0x3]  }
0x6: {  	s20 =	simm.s32 $0x20;
	s21 =	simm.s32 $0x40;
	[smem:$0x7FF] =	sst s2  }
0x7: {  	s22 =	simm.s32 $0x340;
	_ =	strace $0x80000047;
	[dreg:$0x16] =	wrdreg s20  }
0x8: {  	s23 =	simm.s32 $0x80;
	s6 =	sshll.u32 s4, $0x1;
	[dreg:$0x17] =	wrdreg s21  }
0x9: {  	s24 =	simm.s32 $0x380;
	s0 =	sor.u32 s31, s6;
	[dreg:$0x18] =	wrdreg s22  }
0xa: {  	s25 =	simm.s32 $0x400;
	[dreg:$0x19] =	wrdreg s23;
	s6 =	smul.u32 $0xC38, s0  }
0xb: {  	s26 =	simm.s32 $0x500;
	p0 =	sne.s32 s4, $0x0;
	[dreg:$0x1a] =	wrdreg s24  }
0xc: {  	s4 =	sshrl.u32 @!p0 s1, $0x3;
	[dreg:$0x1b] =	wrdreg s25;
	s6 =	smin.u32 s6, $0x17A68  }
0xd: {  	[dreg:$0x1c] =	wrdreg s26;
	s7 =	sshrl.u32 s6, $0x3;
	s6 =	sshll.u32 s6, $0x4  }
0xe: {  	[dreg:$0x15] =	wrdreg s4;
	s7 =	sadd.s32 s3, s7;
	s3 =	sadd.s32 s5, s6  }
0xf: {  	[dreg:$0x6] =	wrdreg s7;
	s5 =	sadd.s32 $0x200, s3  }
0x10: {  	s7 =	sadd.s32 $0x600, s3;
	[dreg:$0x7] =	wrdreg s5  }
0x11: {  	s8 =	sadd.s32 $0xE00, s3;
	[dreg:$0x8] =	wrdreg s7  }
0x12: {  	s9 =	sadd.s32 $0x1E00, s3;
	[dreg:$0x9] =	wrdreg s8  }
0x13: {  	s10 =	sadd.s32 $0x2E00, s3;
	[dreg:$0xa] =	wrdreg s9  }
0x14: {  	s11 =	sadd.s32 $0x3E00, s3;
	[dreg:$0xb] =	wrdreg s10  }
0x15: {  	s12 =	sadd.s32 $0x4E00, s3;
	[dreg:$0xc] =	wrdreg s11  }
0x16: {  	s13 =	sadd.s32 $0x5E00, s3;
	[dreg:$0xd] =	wrdreg s12  }
0x17: {  	s14 =	sadd.s32 $0x6E00, s3;
	[dreg:$0xe] =	wrdreg s13  }
0x18: {  	s15 =	sadd.s32 $0x7E00, s3;
	[dreg:$0xf] =	wrdreg s14  }
0x19: {  	s16 =	sadd.s32 $0x8E00, s3;
	[dreg:$0x10] =	wrdreg s15  }
0x1a: {  	s17 =	sadd.s32 $0x9E00, s3;
	[dreg:$0x11] =	wrdreg s16  }
0x1b: {  	s18 =	sadd.s32 $0xAE00, s3;
	[dreg:$0x12] =	wrdreg s17  }
0x1c: {  	s19 =	sadd.s32 $0xBA00, s3;
	[dreg:$0x13] =	wrdreg s18  }
0x1d: {  	[dreg:$0x14] =	wrdreg s19  }
0x1e: {  	s7 =	rddreg [dreg:$0x15]  }
0x1f: {  	s4 =	simm.s32 $0x320;
	s8 =	rddreg [dreg:$0x6]  }
0x20: {  	s0 =	simm.s32 @!p0 $0x1C07;
	s6 =	simm.s32 @!p0 $0x7;
	s9 =	rddreg [dreg:$0x5]  }
0x21: {  	[tilespmem:s4], [sflag:$0x4] =	stream.linear.gather [hbm4b:s8+s2], $0xC38, $0x38;
	[tilespmem:$0x18FA0] =	vst v63  }
0x22: {  	[spmem:s7], [sflag:s0] =	dma.local @!p0 [hbm:s9], $0x640  }
0x23: {  	_ =	swait.ge @!p0 [sflag:s6], $0x640  }
0x24: {  	[sflag:s6] =	ssyncset.done @!p0 $0x0  }
0x25: {  	v0 =	vimm.f32 @!p0 $0.0e+00;
	[sflag:s6] =	ssyncadd.s32 @!p0 $0xFFFFF9C0  }
0x26: {  	[tilespmem:$0x1010] =	vst @!p0 v0  }
0x27: {  	[tilespmem:$0x1000] =	vst @!p0 v0  }
0x28: {  	[tilespmem:$0xFF0] =	vst @!p0 v0  }
0x29: {  	[tilespmem:$0xFE0] =	vst @!p0 v0  }
0x2a: {  	[tilespmem:$0xFD0] =	vst @!p0 v0  }
0x2b: {  	[tilespmem:$0xFC0] =	vst @!p0 v0  }
0x2c: {  	[tilespmem:$0xFA0] =	vst @!p0 v0  }
0x2d: {  	s0 =	simm.s32 @!p0 $0xFA0;
	[tilespmem:$0xFB0] =	vst @!p0 v0  }
0x2e: {  	[spmem:s1] =	stream.linear.scatter @!p0 [tilespmem:s0], [sflag:$0x7], $0x80, $0x38;
	[tilespmem:$0x18FA0] =	vst v63  }
0x2f: {  	_ =	swait.ge @!p0 [sflag:s6], $0x80  }
0x30: {  	[sflag:s6] =	ssyncset.done @!p0 $0x0  }
0x31: {  	[sflag:s6] =	ssyncadd.s32 @!p0 $0xFFFFFF80  }
0x32: {  	s8 =	simm.s32 $0x4;
	[bflag:$0x0] =	sbarrier.arrive $0xFFFF  }
0x33: {  	_ =	swait.ge [sflag:s8], $0xC38  }
0x34: {  	s10 =	rddreg [dreg:$0x16];
	[sflag:s8] =	ssyncset.done $0x0  }
0x35: {  	s9 =	simm.s32 $0xFA0;
	s12 =	rddreg [dreg:$0x17];
	[sflag:s8] =	ssyncadd.s32 $0xFFFFF3C8  }
0x36: {  	[tilespmem:s9], [sflag:$0x1] =	stream.indirect.gather [spmem:s1], $0x80, s4, s10, $0xb8;
	[tilespmem:$0x18FA0] =	vst v63  }
0x37: {  	s11 =	simm.s32 $0x1;
	s13 =	rddreg [dreg:$0x18];
	s10 =	simm.s32 $0x8FA0  }
0x38: {  	[tilespmem:s10], [sflag:$0x2] =	stream.indirect.gather [spmem:s1], $0x80, s13, s12, $0xb8;
	[tilespmem:$0x18FA0] =	vst v63  }
0x39: {  	_ =	swait.ge [sflag:s11], $0x1000  }
0x3a: {  	[sflag:s11] =	ssyncset.done $0x0  }
0x3b: {  	s14 =	rddreg [dreg:$0x1a];
	[sflag:s11] =	ssyncadd.s32 $0xFFFFF000  }
0x3c: {  	[hbm4b:s3+s2] =	stream.linear.scatter [tilespmem:s9], [sflag:$0x4], $0x1000, $0x38;
	[tilespmem:$0x18FA0] =	vst v63  }
0x3d: {  	s12 =	simm.s32 $0x10FA0;
	s13 =	simm.s32 $0x2;
	s15 =	rddreg [dreg:$0x19]  }
0x3e: {  	[tilespmem:s12], [sflag:$0x3] =	stream.indirect.gather [spmem:s1], $0x80, s14, s15, $0xb8;
	[tilespmem:$0x18FA0] =	vst v63  }
0x3f: {  	_ =	swait.ge [sflag:s13], $0x2000  }
0x40: {  	[sflag:s13] =	ssyncset.done $0x0  }
0x41: {  	s0 =	rddreg [dreg:$0x7];
	[sflag:s13] =	ssyncadd.s32 $0xFFFFE000  }
0x42: {  	[hbm4b:s0+s2] =	stream.linear.scatter [tilespmem:s10], [sflag:$0x5], $0x2000, $0x38;
	[tilespmem:$0x18FA0] =	vst v63  }
0x43: {  	_ =	swait.ge [sflag:s8], $0x1000  }
0x44: {  	s14 =	simm.s32 $0x100;
	[sflag:s8] =	ssyncset.done $0x0  }
0x45: {  	s15 =	simm.s32 $0x3;
	s16 =	rddreg [dreg:$0x1b];
	[sflag:s8] =	ssyncadd.s32 $0xFFFFF000  }
0x46: {  	[tilespmem:s9], [sflag:$0x1] =	stream.indirect.gather [spmem:s1], $0x80, s16, s14, $0xb8;
	[tilespmem:$0x18FA0] =	vst v63  }
0x47: {  	_ =	swait.ge [sflag:s15], $0x4000  }
0x48: {  	[sflag:s15] =	ssyncset.done $0x0  }
0x49: {  	s16 =	simm.s32 $0x5;
	s17 =	rddreg [dreg:$0x8];
	[sflag:s15] =	ssyncadd.s32 $0xFFFFC000  }
0x4a: {  	[hbm4b:s17+s2] =	stream.linear.scatter [tilespmem:s12], [sflag:$0x6], $0x4000, $0x38;
	[tilespmem:$0x18FA0] =	vst v63  }
0x4b: {  	_ =	swait.ge [sflag:s16], $0x2000  }
0x4c: {  	[sflag:s16] =	ssyncset.done $0x0  }
0x4d: {  	s5 =	rddreg [dreg:$0x1c];
	[sflag:s16] =	ssyncadd.s32 $0xFFFFE000  }
0x4e: {  	[tilespmem:s10], [sflag:$0x2] =	stream.indirect.gather [spmem:s1], $0x80, s5, s14, $0xb8;
	[tilespmem:$0x18FA0] =	vst v63  }
0x4f: {  	_ =	swait.ge [sflag:s11], $0x8000  }
0x50: {  	[sflag:s11] =	ssyncset.done $0x0  }
0x51: {  	s17 =	simm.s32 $0x6;
	s18 =	rddreg [dreg:$0x9];
	[sflag:s11] =	ssyncadd.s32 $0xFFFF8000  }
0x52: {  	[hbm4b:s18+s2] =	stream.linear.scatter [tilespmem:s9], [sflag:$0x4], $0x8000, $0x38;
	[tilespmem:$0x18FA0] =	vst v63  }
0x53: {  	_ =	swait.ge [sflag:s17], $0x4000  }
0x54: {  	[sflag:s17] =	ssyncset.done $0x0  }
0x55: {  	s18 =	simm.s32 $0x600;
	[sflag:s17] =	ssyncadd.s32 $0xFFFFC000  }
0x56: {  	[tilespmem:s12], [sflag:$0x3] =	stream.indirect.gather [spmem:s1], $0x80, s18, s14, $0xb8;
	[tilespmem:$0x18FA0] =	vst v63  }
0x57: {  	_ =	swait.ge [sflag:s13], $0x8000  }
0x58: {  	[sflag:s13] =	ssyncset.done $0x0  }
0x59: {  	s19 =	rddreg [dreg:$0xa];
	[sflag:s13] =	ssyncadd.s32 $0xFFFF8000  }
0x5a: {  	[hbm4b:s19+s2] =	stream.linear.scatter [tilespmem:s10], [sflag:$0x5], $0x8000, $0x38;
	[tilespmem:$0x18FA0] =	vst v63  }
0x5b: {  	_ =	swait.ge [sflag:s8], $0x8000  }
0x5c: {  	[sflag:s8] =	ssyncset.done $0x0  }
0x5d: {  	s19 =	simm.s32 $0x700;
	[sflag:s8] =	ssyncadd.s32 $0xFFFF8000  }
0x5e: {  	[tilespmem:s9], [sflag:$0x1] =	stream.indirect.gather [spmem:s1], $0x80, s19, s14, $0xb8;
	[tilespmem:$0x18FA0] =	vst v63  }
0x5f: {  	_ =	swait.ge [sflag:s15], $0x8000  }
0x60: {  	[sflag:s15] =	ssyncset.done $0x0  }
0x61: {  	s20 =	rddreg [dreg:$0xb];
	[sflag:s15] =	ssyncadd.s32 $0xFFFF8000  }
0x62: {  	[hbm4b:s20+s2] =	stream.linear.scatter [tilespmem:s12], [sflag:$0x6], $0x8000, $0x38;
	[tilespmem:$0x18FA0] =	vst v63  }
0x63: {  	_ =	swait.ge [sflag:s16], $0x8000  }
0x64: {  	[sflag:s16] =	ssyncset.done $0x0  }
0x65: {  	s20 =	simm.s32 $0x800;
	[sflag:s16] =	ssyncadd.s32 $0xFFFF8000  }
0x66: {  	[tilespmem:s10], [sflag:$0x2] =	stream.indirect.gather [spmem:s1], $0x80, s20, s14, $0xb8;
	[tilespmem:$0x18FA0] =	vst v63  }
0x67: {  	_ =	swait.ge [sflag:s11], $0x8000  }
0x68: {  	[sflag:s11] =	ssyncset.done $0x0  }
0x69: {  	s21 =	rddreg [dreg:$0xc];
	[sflag:s11] =	ssyncadd.s32 $0xFFFF8000  }
0x6a: {  	[hbm4b:s21+s2] =	stream.linear.scatter [tilespmem:s9], [sflag:$0x4], $0x8000, $0x38;
	[tilespmem:$0x18FA0] =	vst v63  }
0x6b: {  	_ =	swait.ge [sflag:s17], $0x8000  }
0x6c: {  	[sflag:s17] =	ssyncset.done $0x0  }
0x6d: {  	s21 =	simm.s32 $0x900;
	[sflag:s17] =	ssyncadd.s32 $0xFFFF8000  }
0x6e: {  	[tilespmem:s12], [sflag:$0x3] =	stream.indirect.gather [spmem:s1], $0x80, s21, s14, $0xb8;
	[tilespmem:$0x18FA0] =	vst v63  }
0x6f: {  	_ =	swait.ge [sflag:s13], $0x8000  }
0x70: {  	[sflag:s13] =	ssyncset.done $0x0  }
0x71: {  	s22 =	rddreg [dreg:$0xd];
	[sflag:s13] =	ssyncadd.s32 $0xFFFF8000  }
0x72: {  	[hbm4b:s22+s2] =	stream.linear.scatter [tilespmem:s10], [sflag:$0x5], $0x8000, $0x38;
	[tilespmem:$0x18FA0] =	vst v63  }
0x73: {  	_ =	swait.ge [sflag:s8], $0x8000  }
0x74: {  	[sflag:s8] =	ssyncset.done $0x0  }
0x75: {  	s22 =	simm.s32 $0xA00;
	[sflag:s8] =	ssyncadd.s32 $0xFFFF8000  }
0x76: {  	[tilespmem:s9], [sflag:$0x1] =	stream.indirect.gather [spmem:s1], $0x80, s22, s14, $0xb8;
	[tilespmem:$0x18FA0] =	vst v63  }
0x77: {  	_ =	swait.ge [sflag:s15], $0x8000  }
0x78: {  	[sflag:s15] =	ssyncset.done $0x0  }
0x79: {  	s23 =	rddreg [dreg:$0xe];
	[sflag:s15] =	ssyncadd.s32 $0xFFFF8000  }
0x7a: {  	[hbm4b:s23+s2] =	stream.linear.scatter [tilespmem:s12], [sflag:$0x6], $0x8000, $0x38;
	[tilespmem:$0x18FA0] =	vst v63  }
0x7b: {  	_ =	swait.ge [sflag:s16], $0x8000  }
0x7c: {  	[sflag:s16] =	ssyncset.done $0x0  }
0x7d: {  	s23 =	simm.s32 $0xB00;
	[sflag:s16] =	ssyncadd.s32 $0xFFFF8000  }
0x7e: {  	[tilespmem:s10], [sflag:$0x2] =	stream.indirect.gather [spmem:s1], $0x80, s23, s14, $0xb8;
	[tilespmem:$0x18FA0] =	vst v63  }
0x7f: {  	_ =	swait.ge [sflag:s11], $0x8000  }
0x80: {  	[sflag:s11] =	ssyncset.done $0x0  }
0x81: {  	s24 =	rddreg [dreg:$0xf];
	[sflag:s11] =	ssyncadd.s32 $0xFFFF8000  }
0x82: {  	[hbm4b:s24+s2] =	stream.linear.scatter [tilespmem:s9], [sflag:$0x4], $0x8000, $0x38;
	[tilespmem:$0x18FA0] =	vst v63  }
0x83: {  	_ =	swait.ge [sflag:s17], $0x8000  }
0x84: {  	[sflag:s17] =	ssyncset.done $0x0  }
0x85: {  	s24 =	simm.s32 $0xC00;
	[sflag:s17] =	ssyncadd.s32 $0xFFFF8000  }
0x86: {  	[tilespmem:s12], [sflag:$0x3] =	stream.indirect.gather [spmem:s1], $0x80, s24, s14, $0xb8;
	[tilespmem:$0x18FA0] =	vst v63  }
0x87: {  	_ =	swait.ge [sflag:s13], $0x8000  }
0x88: {  	[sflag:s13] =	ssyncset.done $0x0  }
0x89: {  	s25 =	rddreg [dreg:$0x10];
	[sflag:s13] =	ssyncadd.s32 $0xFFFF8000  }
0x8a: {  	[hbm4b:s25+s2] =	stream.linear.scatter [tilespmem:s10], [sflag:$0x5], $0x8000, $0x38;
	[tilespmem:$0x18FA0] =	vst v63  }
0x8b: {  	_ =	swait.ge [sflag:s8], $0x8000  }
0x8c: {  	[sflag:s8] =	ssyncset.done $0x0  }
0x8d: {  	s25 =	simm.s32 $0xD00;
	[sflag:s8] =	ssyncadd.s32 $0xFFFF8000  }
0x8e: {  	[tilespmem:s9], [sflag:$0x1] =	stream.indirect.gather [spmem:s1], $0x80, s25, s14, $0xb8;
	[tilespmem:$0x18FA0] =	vst v63  }
0x8f: {  	_ =	swait.ge [sflag:s15], $0x8000  }
0x90: {  	[sflag:s15] =	ssyncset.done $0x0  }
0x91: {  	s26 =	rddreg [dreg:$0x11];
	[sflag:s15] =	ssyncadd.s32 $0xFFFF8000  }
0x92: {  	[hbm4b:s26+s2] =	stream.linear.scatter [tilespmem:s12], [sflag:$0x6], $0x8000, $0x38;
	[tilespmem:$0x18FA0] =	vst v63  }
0x93: {  	_ =	swait.ge [sflag:s16], $0x8000  }
0x94: {  	[sflag:s16] =	ssyncset.done $0x0  }
0x95: {  	s28 =	simm.s32 $0xE00;
	s26 =	simm.s32 $0xC0;
	[sflag:s16] =	ssyncadd.s32 $0xFFFF8000  }
0x96: {  	[tilespmem:s10], [sflag:$0x2] =	stream.indirect.gather [spmem:s1], $0x80, s28, s26, $0xb8;
	[tilespmem:$0x18FA0] =	vst v63  }
0x97: {  	_ =	swait.ge [sflag:s11], $0x8000  }
0x98: {  	[sflag:s11] =	ssyncset.done $0x0  }
0x99: {  	s29 =	rddreg [dreg:$0x12];
	[sflag:s11] =	ssyncadd.s32 $0xFFFF8000  }
0x9a: {  	[hbm4b:s29+s2] =	stream.linear.scatter [tilespmem:s9], [sflag:$0x4], $0x8000, $0x38;
	[tilespmem:$0x18FA0] =	vst v63  }
0x9b: {  	s5 =	ssub.s32 $0x2, s31;
	_ =	swait.ge [sflag:s17], $0x8000  }
0x9c: {  	s30 =	simm.s32 $0xEC0;
	s31 =	sshrl.u32 s5, $0x1;
	[sflag:s17] =	ssyncset.done $0x0  }
0x9d: {  	s0 =	ssub.s32 s5, s31;
	s29 =	simm.s32 $0x98;
	[sflag:s17] =	ssyncadd.s32 $0xFFFF8000  }
0x9e: {  	[tilespmem:s12], [sflag:$0x3] =	stream.indirect.gather [spmem:s1], $0x80, s30, s29, $0xb8;
	[tilespmem:$0x18FA0] =	vst v63  }
0x9f: {  	s0 =	smax.u32 s0, $0x1;
	_ =	swait.ge [sflag:s13], $0x6000  }
0xa0: {  	s31 =	sadd.s32 $0xFFFFFFFF, s0;
	[sflag:s13] =	ssyncset.done $0x0  }
0xa1: {  	p1 =	sne.s32 s31, $0x0;
	s7 =	rddreg [dreg:$0x13];
	[sflag:s13] =	ssyncadd.s32 $0xFFFFA000  }
0xa2: {  	[hbm4b:s7+s2] =	stream.linear.scatter [tilespmem:s10], [sflag:$0x5], $0x6000, $0x38;
	[tilespmem:$0x18FA0] =	vst v63  }
.Ltmp0:
0xa3: {  	_ =	swait.ge [sflag:s15], $0x4C00;
	(pc) =	sbr.rel @!p1 .LBB2_2-.Ltmp0, $4  }
0xa4: {  	[sflag:s15] =	ssyncset.done $0x0  }
0xa5: {  	s7 =	rddreg [dreg:$0x14];
	[sflag:s15] =	ssyncadd.s32 $0xFFFFB400  }
0xa6: {  	[hbm4b:s7+s2] =	stream.linear.scatter [tilespmem:s12], [sflag:$0x6], $0x4C00, $0x38;
	[tilespmem:$0x18FA0] =	vst v63  }
0xa7: {  	_ =	swait.ge [sflag:s8], $0x8000  }
.LBB2_1:
0xa8: {  	[sflag:s8] =	ssyncset.done $0x0  }
0xa9: {  	[sflag:s8] =	ssyncadd.s32 $0xFFFF8000  }
0xaa: {  	_ =	swait.ge [sflag:s16], $0x6000  }
0xab: {  	[sflag:s16] =	ssyncset.done $0x0  }
0xac: {  	[sflag:s16] =	ssyncadd.s32 $0xFFFFA000  }
0xad: {  	_ =	swait.ge [sflag:s17], $0x4C00  }
0xae: {  	s0 =	rddreg [dreg:$0x15];
	[sflag:s17] =	ssyncset.done $0x0  }
0xaf: {  	s5 =	rddreg [dreg:$0x6];
	[sflag:s17] =	ssyncadd.s32 $0xFFFFB400  }
0xb0: {  	[tilespmem:s4], [sflag:$0x4] =	stream.linear.gather [hbm4b:s5+s2], $0xC38, $0x38;
	[tilespmem:$0x18FA0] =	vst v63  }
0xb1: {  	s7 =	rddreg [dreg:$0x5];
	s5 =	simm.s32 @!p0 $0x1C07  }
0xb2: {  	[spmem:s0], [sflag:s5] =	dma.local @!p0 [hbm:s7], $0x640  }
0xb3: {  	_ =	swait.ge @!p0 [sflag:s6], $0x640  }
0xb4: {  	[sflag:s6] =	ssyncset.done @!p0 $0x0  }
0xb5: {  	[sflag:s6] =	ssyncadd.s32 @!p0 $0xFFFFF9C0  }
0xb6: {  	[tilespmem:$0x1010] =	vst @!p0 v0  }
0xb7: {  	[tilespmem:$0x1000] =	vst @!p0 v0  }
0xb8: {  	[tilespmem:$0xFF0] =	vst @!p0 v0  }
0xb9: {  	[tilespmem:$0xFE0] =	vst @!p0 v0  }
0xba: {  	[tilespmem:$0xFD0] =	vst @!p0 v0  }
0xbb: {  	[tilespmem:$0xFC0] =	vst @!p0 v0  }
0xbc: {  	[tilespmem:$0xFA0] =	vst @!p0 v0  }
0xbd: {  	s0 =	simm.s32 @!p0 $0xFA0;
	[tilespmem:$0xFB0] =	vst @!p0 v0  }
0xbe: {  	[spmem:s1] =	stream.linear.scatter @!p0 [tilespmem:s0], [sflag:$0x7], $0x80, $0x38;
	[tilespmem:$0x18FA0] =	vst v63  }
0xbf: {  	_ =	swait.ge @!p0 [sflag:s6], $0x80  }
0xc0: {  	[sflag:s6] =	ssyncset.done @!p0 $0x0  }
0xc1: {  	[sflag:s6] =	ssyncadd.s32 @!p0 $0xFFFFFF80  }
0xc2: {  	[bflag:$0x0] =	sbarrier.arrive $0xFFFF  }
0xc3: {  	_ =	swait.ge [sflag:s8], $0xC38  }
0xc4: {  	[sflag:s8] =	ssyncset.done $0x0;
	s0 =	rddreg [dreg:$0x16]  }
0xc5: {  	s5 =	rddreg [dreg:$0x17];
	[sflag:s8] =	ssyncadd.s32 $0xFFFFF3C8  }
0xc6: {  	[tilespmem:s9], [sflag:$0x1] =	stream.indirect.gather [spmem:s1], $0x80, s4, s0, $0xb8;
	[tilespmem:$0x18FA0] =	vst v63  }
0xc7: {  	s7 =	rddreg [dreg:$0x18]  }
0xc8: {  	[tilespmem:s10], [sflag:$0x2] =	stream.indirect.gather [spmem:s1], $0x80, s7, s5, $0xb8;
	[tilespmem:$0x18FA0] =	vst v63  }
0xc9: {  	_ =	swait.ge [sflag:s11], $0x1000  }
0xca: {  	[sflag:s11] =	ssyncset.done $0x0  }
0xcb: {  	s5 =	rddreg [dreg:$0x1a];
	[sflag:s11] =	ssyncadd.s32 $0xFFFFF000  }
0xcc: {  	[hbm4b:s3+s2] =	stream.linear.scatter [tilespmem:s9], [sflag:$0x4], $0x1000, $0x38;
	[tilespmem:$0x18FA0] =	vst v63  }
0xcd: {  	s7 =	rddreg [dreg:$0x19]  }
0xce: {  	[tilespmem:s12], [sflag:$0x3] =	stream.indirect.gather [spmem:s1], $0x80, s5, s7, $0xb8;
	[tilespmem:$0x18FA0] =	vst v63  }
0xcf: {  	_ =	swait.ge [sflag:s13], $0x2000  }
0xd0: {  	[sflag:s13] =	ssyncset.done $0x0  }
0xd1: {  	s5 =	rddreg [dreg:$0x7];
	[sflag:s13] =	ssyncadd.s32 $0xFFFFE000  }
0xd2: {  	[hbm4b:s5+s2] =	stream.linear.scatter [tilespmem:s10], [sflag:$0x5], $0x2000, $0x38;
	[tilespmem:$0x18FA0] =	vst v63  }
0xd3: {  	_ =	swait.ge [sflag:s8], $0x1000  }
0xd4: {  	[sflag:s8] =	ssyncset.done $0x0  }
0xd5: {  	s7 =	rddreg [dreg:$0x1b];
	[sflag:s8] =	ssyncadd.s32 $0xFFFFF000  }
0xd6: {  	[tilespmem:s9], [sflag:$0x1] =	stream.indirect.gather [spmem:s1], $0x80, s7, s14, $0xb8;
	[tilespmem:$0x18FA0] =	vst v63  }
0xd7: {  	_ =	swait.ge [sflag:s15], $0x4000  }
0xd8: {  	[sflag:s15] =	ssyncset.done $0x0  }
0xd9: {  	s5 =	rddreg [dreg:$0x8];
	[sflag:s15] =	ssyncadd.s32 $0xFFFFC000  }
0xda: {  	[hbm4b:s5+s2] =	stream.linear.scatter [tilespmem:s12], [sflag:$0x6], $0x4000, $0x38;
	[tilespmem:$0x18FA0] =	vst v63  }
0xdb: {  	_ =	swait.ge [sflag:s16], $0x2000  }
0xdc: {  	[sflag:s16] =	ssyncset.done $0x0  }
0xdd: {  	s7 =	rddreg [dreg:$0x1c];
	[sflag:s16] =	ssyncadd.s32 $0xFFFFE000  }
0xde: {  	[tilespmem:s10], [sflag:$0x2] =	stream.indirect.gather [spmem:s1], $0x80, s7, s14, $0xb8;
	[tilespmem:$0x18FA0] =	vst v63  }
0xdf: {  	_ =	swait.ge [sflag:s11], $0x8000  }
0xe0: {  	[sflag:s11] =	ssyncset.done $0x0  }
0xe1: {  	s5 =	rddreg [dreg:$0x9];
	[sflag:s11] =	ssyncadd.s32 $0xFFFF8000  }
0xe2: {  	[hbm4b:s5+s2] =	stream.linear.scatter [tilespmem:s9], [sflag:$0x4], $0x8000, $0x38;
	[tilespmem:$0x18FA0] =	vst v63  }
0xe3: {  	_ =	swait.ge [sflag:s17], $0x4000  }
0xe4: {  	[sflag:s17] =	ssyncset.done $0x0  }
0xe5: {  	[sflag:s17] =	ssyncadd.s32 $0xFFFFC000  }
0xe6: {  	[tilespmem:s12], [sflag:$0x3] =	stream.indirect.gather [spmem:s1], $0x80, s18, s14, $0xb8;
	[tilespmem:$0x18FA0] =	vst v63  }
0xe7: {  	_ =	swait.ge [sflag:s13], $0x8000  }
0xe8: {  	[sflag:s13] =	ssyncset.done $0x0  }
0xe9: {  	s7 =	rddreg [dreg:$0xa];
	[sflag:s13] =	ssyncadd.s32 $0xFFFF8000  }
0xea: {  	[hbm4b:s7+s2] =	stream.linear.scatter [tilespmem:s10], [sflag:$0x5], $0x8000, $0x38;
	[tilespmem:$0x18FA0] =	vst v63  }
0xeb: {  	_ =	swait.ge [sflag:s8], $0x8000  }
0xec: {  	[sflag:s8] =	ssyncset.done $0x0  }
0xed: {  	[sflag:s8] =	ssyncadd.s32 $0xFFFF8000  }
0xee: {  	[tilespmem:s9], [sflag:$0x1] =	stream.indirect.gather [spmem:s1], $0x80, s19, s14, $0xb8;
	[tilespmem:$0x18FA0] =	vst v63  }
0xef: {  	_ =	swait.ge [sflag:s15], $0x8000  }
0xf0: {  	[sflag:s15] =	ssyncset.done $0x0  }
0xf1: {  	s5 =	rddreg [dreg:$0xb];
	[sflag:s15] =	ssyncadd.s32 $0xFFFF8000  }
0xf2: {  	[hbm4b:s5+s2] =	stream.linear.scatter [tilespmem:s12], [sflag:$0x6], $0x8000, $0x38;
	[tilespmem:$0x18FA0] =	vst v63  }
0xf3: {  	_ =	swait.ge [sflag:s16], $0x8000  }
0xf4: {  	[sflag:s16] =	ssyncset.done $0x0  }
0xf5: {  	[sflag:s16] =	ssyncadd.s32 $0xFFFF8000  }
0xf6: {  	[tilespmem:s10], [sflag:$0x2] =	stream.indirect.gather [spmem:s1], $0x80, s20, s14, $0xb8;
	[tilespmem:$0x18FA0] =	vst v63  }
0xf7: {  	_ =	swait.ge [sflag:s11], $0x8000  }
0xf8: {  	[sflag:s11] =	ssyncset.done $0x0  }
0xf9: {  	s7 =	rddreg [dreg:$0xc];
	[sflag:s11] =	ssyncadd.s32 $0xFFFF8000  }
0xfa: {  	[hbm4b:s7+s2] =	stream.linear.scatter [tilespmem:s9], [sflag:$0x4], $0x8000, $0x38;
	[tilespmem:$0x18FA0] =	vst v63  }
0xfb: {  	_ =	swait.ge [sflag:s17], $0x8000  }
0xfc: {  	[sflag:s17] =	ssyncset.done $0x0  }
0xfd: {  	[sflag:s17] =	ssyncadd.s32 $0xFFFF8000  }
0xfe: {  	[tilespmem:s12], [sflag:$0x3] =	stream.indirect.gather [spmem:s1], $0x80, s21, s14, $0xb8;
	[tilespmem:$0x18FA0] =	vst v63  }
0xff: {  	_ =	swait.ge [sflag:s13], $0x8000  }
0x100: {  	[sflag:s13] =	ssyncset.done $0x0  }
0x101: {  	s5 =	rddreg [dreg:$0xd];
	[sflag:s13] =	ssyncadd.s32 $0xFFFF8000  }
0x102: {  	[hbm4b:s5+s2] =	stream.linear.scatter [tilespmem:s10], [sflag:$0x5], $0x8000, $0x38;
	[tilespmem:$0x18FA0] =	vst v63  }
0x103: {  	_ =	swait.ge [sflag:s8], $0x8000  }
0x104: {  	[sflag:s8] =	ssyncset.done $0x0  }
0x105: {  	[sflag:s8] =	ssyncadd.s32 $0xFFFF8000  }
0x106: {  	[tilespmem:s9], [sflag:$0x1] =	stream.indirect.gather [spmem:s1], $0x80, s22, s14, $0xb8;
	[tilespmem:$0x18FA0] =	vst v63  }
0x107: {  	_ =	swait.ge [sflag:s15], $0x8000  }
0x108: {  	[sflag:s15] =	ssyncset.done $0x0  }
0x109: {  	s7 =	rddreg [dreg:$0xe];
	[sflag:s15] =	ssyncadd.s32 $0xFFFF8000  }
0x10a: {  	[hbm4b:s7+s2] =	stream.linear.scatter [tilespmem:s12], [sflag:$0x6], $0x8000, $0x38;
	[tilespmem:$0x18FA0] =	vst v63  }
0x10b: {  	_ =	swait.ge [sflag:s16], $0x8000  }
0x10c: {  	[sflag:s16] =	ssyncset.done $0x0  }
0x10d: {  	[sflag:s16] =	ssyncadd.s32 $0xFFFF8000  }
0x10e: {  	[tilespmem:s10], [sflag:$0x2] =	stream.indirect.gather [spmem:s1], $0x80, s23, s14, $0xb8;
	[tilespmem:$0x18FA0] =	vst v63  }
0x10f: {  	_ =	swait.ge [sflag:s11], $0x8000  }
0x110: {  	[sflag:s11] =	ssyncset.done $0x0  }
0x111: {  	s5 =	rddreg [dreg:$0xf];
	[sflag:s11] =	ssyncadd.s32 $0xFFFF8000  }
0x112: {  	[hbm4b:s5+s2] =	stream.linear.scatter [tilespmem:s9], [sflag:$0x4], $0x8000, $0x38;
	[tilespmem:$0x18FA0] =	vst v63  }
0x113: {  	_ =	swait.ge [sflag:s17], $0x8000  }
0x114: {  	[sflag:s17] =	ssyncset.done $0x0  }
0x115: {  	[sflag:s17] =	ssyncadd.s32 $0xFFFF8000  }
0x116: {  	[tilespmem:s12], [sflag:$0x3] =	stream.indirect.gather [spmem:s1], $0x80, s24, s14, $0xb8;
	[tilespmem:$0x18FA0] =	vst v63  }
0x117: {  	_ =	swait.ge [sflag:s13], $0x8000  }
0x118: {  	[sflag:s13] =	ssyncset.done $0x0  }
0x119: {  	s7 =	rddreg [dreg:$0x10];
	[sflag:s13] =	ssyncadd.s32 $0xFFFF8000  }
0x11a: {  	[hbm4b:s7+s2] =	stream.linear.scatter [tilespmem:s10], [sflag:$0x5], $0x8000, $0x38;
	[tilespmem:$0x18FA0] =	vst v63  }
0x11b: {  	_ =	swait.ge [sflag:s8], $0x8000  }
0x11c: {  	[sflag:s8] =	ssyncset.done $0x0  }
0x11d: {  	[sflag:s8] =	ssyncadd.s32 $0xFFFF8000  }
0x11e: {  	[tilespmem:s9], [sflag:$0x1] =	stream.indirect.gather [spmem:s1], $0x80, s25, s14, $0xb8;
	[tilespmem:$0x18FA0] =	vst v63  }
0x11f: {  	_ =	swait.ge [sflag:s15], $0x8000  }
0x120: {  	[sflag:s15] =	ssyncset.done $0x0  }
0x121: {  	s5 =	rddreg [dreg:$0x11];
	[sflag:s15] =	ssyncadd.s32 $0xFFFF8000  }
0x122: {  	[hbm4b:s5+s2] =	stream.linear.scatter [tilespmem:s12], [sflag:$0x6], $0x8000, $0x38;
	[tilespmem:$0x18FA0] =	vst v63  }
0x123: {  	_ =	swait.ge [sflag:s16], $0x8000  }
0x124: {  	[sflag:s16] =	ssyncset.done $0x0  }
0x125: {  	[sflag:s16] =	ssyncadd.s32 $0xFFFF8000  }
0x126: {  	[tilespmem:s10], [sflag:$0x2] =	stream.indirect.gather [spmem:s1], $0x80, s28, s26, $0xb8;
	[tilespmem:$0x18FA0] =	vst v63  }
0x127: {  	_ =	swait.ge [sflag:s11], $0x8000  }
0x128: {  	[sflag:s11] =	ssyncset.done $0x0  }
0x129: {  	s7 =	rddreg [dreg:$0x12];
	[sflag:s11] =	ssyncadd.s32 $0xFFFF8000  }
0x12a: {  	[hbm4b:s7+s2] =	stream.linear.scatter [tilespmem:s9], [sflag:$0x4], $0x8000, $0x38;
	[tilespmem:$0x18FA0] =	vst v63  }
0x12b: {  	_ =	swait.ge [sflag:s17], $0x8000  }
0x12c: {  	[sflag:s17] =	ssyncset.done $0x0  }
0x12d: {  	[sflag:s17] =	ssyncadd.s32 $0xFFFF8000  }
0x12e: {  	[tilespmem:s12], [sflag:$0x3] =	stream.indirect.gather [spmem:s1], $0x80, s30, s29, $0xb8;
	[tilespmem:$0x18FA0] =	vst v63  }
0x12f: {  	_ =	swait.ge [sflag:s13], $0x6000  }
0x130: {  	s31 =	sadd.s32 $0xFFFFFFFF, s31;
	[sflag:s13] =	ssyncset.done $0x0  }
0x131: {  	p1 =	sne.s32 s31, $0x0;
	s5 =	rddreg [dreg:$0x13];
	[sflag:s13] =	ssyncadd.s32 $0xFFFFA000  }
0x132: {  	[hbm4b:s5+s2] =	stream.linear.scatter [tilespmem:s10], [sflag:$0x5], $0x6000, $0x38;
	[tilespmem:$0x18FA0] =	vst v63  }
.Ltmp1:
0x133: {  	_ =	swait.ge [sflag:s15], $0x4C00;
	(pc) =	sbr.rel @p1 .LBB2_1-.Ltmp1, $4  }
0x134: {  	[sflag:s15] =	ssyncset.done $0x0  }
0x135: {  	s7 =	rddreg [dreg:$0x14];
	[sflag:s15] =	ssyncadd.s32 $0xFFFFB400  }
0x136: {  	[hbm4b:s7+s2] =	stream.linear.scatter [tilespmem:s12], [sflag:$0x6], $0x4C00, $0x38;
	[tilespmem:$0x18FA0] =	vst v63  }
0x137: {  	_ =	swait.ge [sflag:s8], $0x8000  }
.LBB2_2:
0x138: {  	[sflag:s8] =	ssyncset.done $0x0  }
0x139: {  	[sflag:s8] =	ssyncadd.s32 $0xFFFF8000  }
0x13a: {  	_ =	swait.ge [sflag:s16], $0x6000  }
0x13b: {  	[sflag:s16] =	ssyncset.done $0x0  }
0x13c: {  	[sflag:s16] =	ssyncadd.s32 $0xFFFFA000  }
0x13d: {  	_ =	swait.ge [sflag:s17], $0x4C00  }
0x13e: {  	[sflag:s17] =	ssyncset.done $0x0  }
0x13f: {  	[sflag:s17] =	ssyncadd.s32 $0xFFFFB400  }
0x140: {  	_ =	sfence.sel $0x180000  }
0x141: {  	[bflag:$0x0] =	sbarrier.arrive $0xFFFF  }
0x142: {  	_ =	strace $0x90000047  }
0x143: {  	[bflag:$0x2] =	sbarrier.arrive $0xFFFF  }
0x144: {  	s0 =	rddreg [dreg:$0x4]  }
0x145: {  	s0 =	sadd.s32 @!p0 $0x100000, s0  }
0x146: {  	[sflag:s0] =	ssyncadd.tile.s32 @!p0 $0x1;
	_ =	shalt  }
.Lfunc_end2:
_tile_overlayer_lowered:
.L_overlay_start_2:
0x147: {  	(tag) =	ssettag $0x2  }
0x148: {  	s0 =	rddreg [dreg:$0x0];
	s2 =	stileid.u32  }
0x149: {  	s1 =	rddreg [dreg:$0x1];
	p0 =	sne.s32 s2, $0x0  }
0x14a: {  	s3 =	rddreg [dreg:$0x2];
	[bflag:$0x3] =	sbarrier.arrive $0xFFFF;
	s2 =	simm.s32 @!p0 $0x1C07  }
0x14b: {  	[timem:s3], [sflag:s2] =	dma.local @!p0 [hbm:s0], s1  }
0x14c: {  	s0 =	simm.s32 @!p0 $0x7  }
0x14d: {  	_ =	swait.ge @!p0 [sflag:s0], s1  }
0x14e: {  	s1 =	ssub.s32 @!p0 $0x0, s1;
	[sflag:s0] =	ssyncset.done @!p0 $0x0  }
0x14f: {  	[sflag:s0] =	ssyncadd.s32 @!p0 s1  }
0x150: {  	[bflag:$0x3] =	sbarrier.arrive $0xFFFF  }
0x151: {  	_ =	shalt  }

</sc_bundles>
